<compile_context>
chip_gen: v7x
topology: tpu7x:2x2x1
jax: 0.10.2.dev20260603
libtpu: 0.0.44.dev20260713+nightly
codegen_flags: <defaults>
</compile_context>

<pallas_src>
import jax
import jax.numpy as jnp
from jax import lax
from jax.experimental import pallas as pl
from jax.experimental.pallas import tpu as pltpu
from jax.experimental.pallas import tpu_sc as plsc

_B, _NH, _T = 4, 16, 8192
_S = 256
_K = 5
_NSUB = 16
_NCORE = 2
_CPT = _T // _NSUB
_BPC = _B // _NCORE
_NQ = _CPT // 128
_NR = _CPT // 128

_mesh = plsc.VectorSubcoreMesh(
    core_axis_name="c", subcore_axis_name="s",
    num_cores=_NCORE, num_subcores=_NSUB,
)


def _sc_body(attn, map2d, part, att_l, map_l, tv0, tv1, zb, acc0, acc1,
             d0, d1, d2, d3, dm, dsc):
    cid = lax.axis_index("c")
    sid = lax.axis_index("s")
    base = sid * _CPT
    rows0 = cid * (_BPC * _NH)

    dsems = (d0, d1, d2, d3)
    in_copies = []
    for q in range(_NQ):
        in_copies.append(pltpu.async_copy(
            attn.at[pl.ds(rows0, _BPC * _NH), pl.ds(base + q * 128, 128)],
            att_l.at[:, pl.ds(q * 128, 128)], dsems[q]))
    map_copy = pltpu.async_copy(
        map2d.at[pl.ds(sid * _NR, _NR)], map_l, dm)

    @pl.when(sid == 0)
    def _init():
        for i in range(_S // 16):
            zb[pl.ds(i * 16, 16)] = jnp.zeros((16,), jnp.float32)
        pltpu.sync_copy(zb, acc0)
        pltpu.sync_copy(zb, acc1)

    plsc.subcore_barrier()
    map_copy.wait()

    sc_copies = []
    for q in range(_NQ):
        in_copies[q].wait()

        def g_body(g, carry, q=q):
            t0 = q * 128 + g * 16
            for b, tv in ((0, tv0), (1, tv1)):
                vs = [att_l[b * _NH + h, pl.ds(t0, 16)]
                      for h in range(_NH)]
                while len(vs) > 1:
                    vs = [vs[i] + vs[i + 1] for i in range(0, len(vs), 2)]
                tv[pl.ds(t0, 16)] = vs[0] * jnp.float32(1.0 / _NH)
            return carry

        lax.fori_loop(0, 8, g_body, 0)
        for tv, acc in ((tv0, acc0), (tv1, acc1)):
            sc_copies.append(pltpu.async_copy(
                tv.at[pl.ds(q * 128, 128)], acc.at[map_l.at[q]], dsc,
                add=True))
    for c in sc_copies:
        c.wait()
    plsc.subcore_barrier()

    @pl.when(sid == 0)
    def _out():
        pltpu.sync_copy(acc0, part.at[cid * _BPC])
        pltpu.sync_copy(acc1, part.at[cid * _BPC + 1])


def _tc_body(part_ref, vals_ref, idx_ref):
    work = part_ref[...]
    total = jnp.sum(work, axis=-1, keepdims=True)
    col = lax.broadcasted_iota(jnp.int32, (_B, 8), 1)
    sent = lax.broadcasted_iota(jnp.int32, (_B, _S), 1)
    vals_acc = jnp.zeros((_B, 8), jnp.float32)
    idx_acc = jnp.zeros((_B, 8), jnp.int32)
    for i in range(_K):
        mx = jnp.max(work, axis=-1, keepdims=True)
        cand = jnp.where(work == mx, sent, jnp.int32(1 << 30))
        ind = jnp.min(cand, axis=-1, keepdims=True)
        vals_acc = jnp.where(col == i, mx, vals_acc)
        idx_acc = jnp.where(col == i, ind, idx_acc)
        work = jnp.where(sent == ind, jnp.float32(-1.0), work)
    vals_ref[...] = (vals_acc / total)[:, :_K]
    idx_ref[...] = idx_acc[:, :_K]


def kernel(attention_weights, token_to_sentence_map):
    attn2d = attention_weights.reshape(_B * _NH, _T)
    map2d = token_to_sentence_map.astype(jnp.int32).reshape(_T // 128, 128)
    sc_run = pl.kernel(
        _sc_body,
        out_type=jax.ShapeDtypeStruct((_B, _S), jnp.float32),
        mesh=_mesh,
        compiler_params=pltpu.CompilerParams(needs_layout_passes=False),
        scratch_types=[
            pltpu.VMEM((_BPC * _NH, _CPT), jnp.float32),
            pltpu.VMEM((_NR, 128), jnp.int32),
            pltpu.VMEM((_CPT,), jnp.float32),
            pltpu.VMEM((_CPT,), jnp.float32),
            pltpu.VMEM((_S,), jnp.float32),
            pltpu.VMEM_SHARED((_S,), jnp.float32),
            pltpu.VMEM_SHARED((_S,), jnp.float32),
        ] + [pltpu.SemaphoreType.DMA] * 6,
    )
    part = sc_run(attn2d, map2d)
    vals, idx = pl.pallas_call(
        _tc_body,
        out_shape=[
            jax.ShapeDtypeStruct((_B, _K), jnp.float32),
            jax.ShapeDtypeStruct((_B, _K), jnp.int32),
        ],
    )(part)
    return vals, idx

# --- scband reference (transcript-rebuilt; emitter-appended) ---
"""Pipeline reference for scband-evidence-extractor-17171279249451 (READ-ONLY COPY).

The authoritative reference and input builder live on the scoring server;
editing this copy changes nothing except your own understanding.
"""

import jax, jax.numpy as jnp
import numpy as np

NUM_SENTENCES = 256
TOP_K = 5


def setup_inputs(seed: int = 0) -> dict:
    key = jax.random.key(seed)
    k1, k2 = jax.random.split(key)
    attention_weights = jax.random.uniform(k1, (4, 16, 8192), dtype=jnp.float32)
    token_to_sentence_map = jnp.sort(jax.random.randint(k2, (8192,), 0, NUM_SENTENCES))
    return {
        "attention_weights": attention_weights,
        "token_to_sentence_map": token_to_sentence_map,
    }


def reference(attention_weights, token_to_sentence_map):
    # avg over heads: [B, nh, T] -> [B, T]
    avg_attn = attention_weights.mean(axis=1)
    # per-sentence scatter-add over tokens (equivalent to the masked-sum loop):
    # segment_sum over token axis -> [S, B] -> transpose to [B, S]
    sentence_scores = jax.ops.segment_sum(
        avg_attn.T, token_to_sentence_map, num_segments=NUM_SENTENCES
    ).T
    # normalize per batch row
    sentence_scores = sentence_scores / sentence_scores.sum(axis=-1, keepdims=True)
    # top-k sentences per batch element (idx, score); sentence text lookup is host-side
    k = min(TOP_K, NUM_SENTENCES)
    top_vals, top_idx = jax.lax.top_k(sentence_scores, k)
    return top_vals, top_idx

if __name__ == "__main__":
    import jax
    _d = setup_inputs()
    print(jax.jit(kernel)(*tuple(_d.values())))

</pallas_src>

<mosaic_0001>
#map = affine_map<(d0, d1) -> (0, 0)>
module attributes {stable_mosaic.version = 14 : i64} {
  func.func @_sc_body(%arg0: i32, %arg1: i32, %arg2: memref<64x8192xf32, #tpu.memory_space<hbm>>, %arg3: memref<64x128xi32, #tpu.memory_space<hbm>>, %arg4: memref<4x256xf32, #tpu.memory_space<hbm>>, %arg5: memref<32x512xf32, #tpu.memory_space<vmem>>, %arg6: memref<4x128xi32, #tpu.memory_space<vmem>>, %arg7: memref<512xf32, #tpu.memory_space<vmem>>, %arg8: memref<512xf32, #tpu.memory_space<vmem>>, %arg9: memref<256xf32, #tpu.memory_space<vmem>>, %arg10: memref<256xf32, #tpu.memory_space<vmem_shared>>, %arg11: memref<256xf32, #tpu.memory_space<vmem_shared>>, %arg12: memref<!tpu.dma_semaphore, #tpu.memory_space<semaphore_mem>>, %arg13: memref<!tpu.dma_semaphore, #tpu.memory_space<semaphore_mem>>, %arg14: memref<!tpu.dma_semaphore, #tpu.memory_space<semaphore_mem>>, %arg15: memref<!tpu.dma_semaphore, #tpu.memory_space<semaphore_mem>>, %arg16: memref<!tpu.dma_semaphore, #tpu.memory_space<semaphore_mem>>, %arg17: memref<!tpu.dma_semaphore, #tpu.memory_space<semaphore_mem>>) attributes {dimension_semantics = [#tpu.dimension_semantics<core_parallel>, #tpu.dimension_semantics<subcore_parallel>], iteration_bounds = array<i64: 2, 16>, scalar_prefetch = 0 : i64, scratch_operands = 13 : i64, tpu.core_type = #tpu.core_type<sc_vector_subcore>, window_params = [{transform_indices = #map}, {transform_indices = #map}, {transform_indices = #map}]} {
    %mul3A = arith.constant 512 : i32
    %mul3A_0 = arith.muli %arg1, %mul3A : i32
    %mul3A_1 = arith.constant 32 : i32
    %mul3A_2 = arith.muli %arg0, %mul3A_1 : i32
    %add3A = arith.constant 0 : i32
    %add3A_3 = arith.addi %mul3A_0, %add3A : i32
    %dma_start3A = arith.constant 0 : i32
    %dma_start3A_4 = arith.constant 0 : i32
    %dma_start3A_5 = tpu.memref_slice %arg5[%dma_start3A, %dma_start3A_4] : memref<32x512xf32, #tpu.memory_space<vmem>> -> memref<32x128xf32, #tpu.memory_space<vmem>>
    %dma_start3A_6 = tpu.memref_slice %arg2[%mul3A_2, %add3A_3] : memref<64x8192xf32, #tpu.memory_space<hbm>> -> memref<32x128xf32, #tpu.memory_space<hbm>>
    %dma_start3A_7 = arith.constant 0 : i32
    %dma_start3A_8 = arith.constant 0 : i32
    %dma_start3A_9 = tpu.memref_slice %arg5[%dma_start3A_7, %dma_start3A_8] : memref<32x512xf32, #tpu.memory_space<vmem>> -> memref<32x128xf32, #tpu.memory_space<vmem>>
    %dma_start3A_10 = tpu.memref_slice %arg2[%mul3A_2, %add3A_3] : memref<64x8192xf32, #tpu.memory_space<hbm>> -> memref<32x128xf32, #tpu.memory_space<hbm>>
    tpu.enqueue_dma source(%dma_start3A_10 : memref<32x128xf32, #tpu.memory_space<hbm>>) target(%dma_start3A_9 : memref<32x128xf32, #tpu.memory_space<vmem>>) target_semaphore(%arg12 : memref<!tpu.dma_semaphore, #tpu.memory_space<semaphore_mem>>)
    %add3A_11 = arith.constant 128 : i32
    %add3A_12 = arith.addi %mul3A_0, %add3A_11 : i32
    %dma_start3A_13 = arith.constant 0 : i32
    %dma_start3A_14 = arith.constant 128 : i32
    %dma_start3A_15 = tpu.memref_slice %arg5[%dma_start3A_13, %dma_start3A_14] : memref<32x512xf32, #tpu.memory_space<vmem>> -> memref<32x128xf32, #tpu.memory_space<vmem>>
    %dma_start3A_16 = tpu.memref_slice %arg2[%mul3A_2, %add3A_12] : memref<64x8192xf32, #tpu.memory_space<hbm>> -> memref<32x128xf32, #tpu.memory_space<hbm>>
    %dma_start3A_17 = arith.constant 0 : i32
    %dma_start3A_18 = arith.constant 128 : i32
    %dma_start3A_19 = tpu.memref_slice %arg5[%dma_start3A_17, %dma_start3A_18] : memref<32x512xf32, #tpu.memory_space<vmem>> -> memref<32x128xf32, #tpu.memory_space<vmem>>
    %dma_start3A_20 = tpu.memref_slice %arg2[%mul3A_2, %add3A_12] : memref<64x8192xf32, #tpu.memory_space<hbm>> -> memref<32x128xf32, #tpu.memory_space<hbm>>
    tpu.enqueue_dma source(%dma_start3A_20 : memref<32x128xf32, #tpu.memory_space<hbm>>) target(%dma_start3A_19 : memref<32x128xf32, #tpu.memory_space<vmem>>) target_semaphore(%arg13 : memref<!tpu.dma_semaphore, #tpu.memory_space<semaphore_mem>>)
    %add3A_21 = arith.constant 256 : i32
    %add3A_22 = arith.addi %mul3A_0, %add3A_21 : i32
    %dma_start3A_23 = arith.constant 0 : i32
    %dma_start3A_24 = arith.constant 256 : i32
    %dma_start3A_25 = tpu.memref_slice %arg5[%dma_start3A_23, %dma_start3A_24] : memref<32x512xf32, #tpu.memory_space<vmem>> -> memref<32x128xf32, #tpu.memory_space<vmem>>
    %dma_start3A_26 = tpu.memref_slice %arg2[%mul3A_2, %add3A_22] : memref<64x8192xf32, #tpu.memory_space<hbm>> -> memref<32x128xf32, #tpu.memory_space<hbm>>
    %dma_start3A_27 = arith.constant 0 : i32
    %dma_start3A_28 = arith.constant 256 : i32
    %dma_start3A_29 = tpu.memref_slice %arg5[%dma_start3A_27, %dma_start3A_28] : memref<32x512xf32, #tpu.memory_space<vmem>> -> memref<32x128xf32, #tpu.memory_space<vmem>>
    %dma_start3A_30 = tpu.memref_slice %arg2[%mul3A_2, %add3A_22] : memref<64x8192xf32, #tpu.memory_space<hbm>> -> memref<32x128xf32, #tpu.memory_space<hbm>>
    tpu.enqueue_dma source(%dma_start3A_30 : memref<32x128xf32, #tpu.memory_space<hbm>>) target(%dma_start3A_29 : memref<32x128xf32, #tpu.memory_space<vmem>>) target_semaphore(%arg14 : memref<!tpu.dma_semaphore, #tpu.memory_space<semaphore_mem>>)
    %add3A_31 = arith.constant 384 : i32
    %add3A_32 = arith.addi %mul3A_0, %add3A_31 : i32
    %dma_start3A_33 = arith.constant 0 : i32
    %dma_start3A_34 = arith.constant 384 : i32
    %dma_start3A_35 = tpu.memref_slice %arg5[%dma_start3A_33, %dma_start3A_34] : memref<32x512xf32, #tpu.memory_space<vmem>> -> memref<32x128xf32, #tpu.memory_space<vmem>>
    %dma_start3A_36 = tpu.memref_slice %arg2[%mul3A_2, %add3A_32] : memref<64x8192xf32, #tpu.memory_space<hbm>> -> memref<32x128xf32, #tpu.memory_space<hbm>>
    %dma_start3A_37 = arith.constant 0 : i32
    %dma_start3A_38 = arith.constant 384 : i32
    %dma_start3A_39 = tpu.memref_slice %arg5[%dma_start3A_37, %dma_start3A_38] : memref<32x512xf32, #tpu.memory_space<vmem>> -> memref<32x128xf32, #tpu.memory_space<vmem>>
    %dma_start3A_40 = tpu.memref_slice %arg2[%mul3A_2, %add3A_32] : memref<64x8192xf32, #tpu.memory_space<hbm>> -> memref<32x128xf32, #tpu.memory_space<hbm>>
    tpu.enqueue_dma source(%dma_start3A_40 : memref<32x128xf32, #tpu.memory_space<hbm>>) target(%dma_start3A_39 : memref<32x128xf32, #tpu.memory_space<vmem>>) target_semaphore(%arg15 : memref<!tpu.dma_semaphore, #tpu.memory_space<semaphore_mem>>)
    %mul3A_41 = arith.constant 4 : i32
    %mul3A_42 = arith.muli %arg1, %mul3A_41 : i32
    %dma_start3A_43 = arith.constant 0 : i32
    %dma_start3A_44 = tpu.memref_slice %arg3[%mul3A_42, %dma_start3A_43] : memref<64x128xi32, #tpu.memory_space<hbm>> -> memref<4x128xi32, #tpu.memory_space<hbm>>
    %dma_start3A_45 = arith.constant 0 : i32
    %dma_start3A_46 = tpu.memref_slice %arg3[%mul3A_42, %dma_start3A_45] : memref<64x128xi32, #tpu.memory_space<hbm>> -> memref<4x128xi32, #tpu.memory_space<hbm>>
    tpu.enqueue_dma source(%dma_start3A_46 : memref<4x128xi32, #tpu.memory_space<hbm>>) target(%arg6 : memref<4x128xi32, #tpu.memory_space<vmem>>) target_semaphore(%arg16 : memref<!tpu.dma_semaphore, #tpu.memory_space<semaphore_mem>>)
    %eq3A = arith.constant 0 : i32
    %eq3A_47 = arith.cmpi eq, %arg1, %eq3A : i32
    %convert_element_type3A = arith.extui %eq3A_47 : i1 to i32
    %cond3A = arith.constant 0 : i32
    %cond3A_48 = arith.cmpi ne, %convert_element_type3A, %cond3A : i32
    scf.if %cond3A_48 {
      %broadcast_in_dim3A = arith.constant 0.000000e+00 : f32
      %broadcast_in_dim3A_241 = vector.broadcast %broadcast_in_dim3A : f32 to vector<16xf32>
      %swap3A = arith.constant 0 : index
      %swap3A_242 = tpu.vector_load %arg9[%swap3A] {strides = array<i32>} : memref<256xf32, #tpu.memory_space<vmem>>, vector<16xf32>,
      tpu.vector_store %arg9[%swap3A], %broadcast_in_dim3A_241 {strides = array<i32>} : memref<256xf32, #tpu.memory_space<vmem>>, vector<16xf32>,
      %broadcast_in_dim3A_243 = arith.constant 0.000000e+00 : f32
      %broadcast_in_dim3A_244 = vector.broadcast %broadcast_in_dim3A_243 : f32 to vector<16xf32>
      %swap3A_245 = arith.constant 16 : index
      %swap3A_246 = tpu.vector_load %arg9[%swap3A_245] {strides = array<i32>} : memref<256xf32, #tpu.memory_space<vmem>>, vector<16xf32>,
      tpu.vector_store %arg9[%swap3A_245], %broadcast_in_dim3A_244 {strides = array<i32>} : memref<256xf32, #tpu.memory_space<vmem>>, vector<16xf32>,
      %broadcast_in_dim3A_247 = arith.constant 0.000000e+00 : f32
      %broadcast_in_dim3A_248 = vector.broadcast %broadcast_in_dim3A_247 : f32 to vector<16xf32>
      %swap3A_249 = arith.constant 32 : index
      %swap3A_250 = tpu.vector_load %arg9[%swap3A_249] {strides = array<i32>} : memref<256xf32, #tpu.memory_space<vmem>>, vector<16xf32>,
      tpu.vector_store %arg9[%swap3A_249], %broadcast_in_dim3A_248 {strides = array<i32>} : memref<256xf32, #tpu.memory_space<vmem>>, vector<16xf32>,
      %broadcast_in_dim3A_251 = arith.constant 0.000000e+00 : f32
      %broadcast_in_dim3A_252 = vector.broadcast %broadcast_in_dim3A_251 : f32 to vector<16xf32>
      %swap3A_253 = arith.constant 48 : index
      %swap3A_254 = tpu.vector_load %arg9[%swap3A_253] {strides = array<i32>} : memref<256xf32, #tpu.memory_space<vmem>>, vector<16xf32>,
      tpu.vector_store %arg9[%swap3A_253], %broadcast_in_dim3A_252 {strides = array<i32>} : memref<256xf32, #tpu.memory_space<vmem>>, vector<16xf32>,
      %broadcast_in_dim3A_255 = arith.constant 0.000000e+00 : f32
      %broadcast_in_dim3A_256 = vector.broadcast %broadcast_in_dim3A_255 : f32 to vector<16xf32>
      %swap3A_257 = arith.constant 64 : index
      %swap3A_258 = tpu.vector_load %arg9[%swap3A_257] {strides = array<i32>} : memref<256xf32, #tpu.memory_space<vmem>>, vector<16xf32>,
      tpu.vector_store %arg9[%swap3A_257], %broadcast_in_dim3A_256 {strides = array<i32>} : memref<256xf32, #tpu.memory_space<vmem>>, vector<16xf32>,
      %broadcast_in_dim3A_259 = arith.constant 0.000000e+00 : f32
      %broadcast_in_dim3A_260 = vector.broadcast %broadcast_in_dim3A_259 : f32 to vector<16xf32>
      %swap3A_261 = arith.constant 80 : index
      %swap3A_262 = tpu.vector_load %arg9[%swap3A_261] {strides = array<i32>} : memref<256xf32, #tpu.memory_space<vmem>>, vector<16xf32>,
      tpu.vector_store %arg9[%swap3A_261], %broadcast_in_dim3A_260 {strides = array<i32>} : memref<256xf32, #tpu.memory_space<vmem>>, vector<16xf32>,
      %broadcast_in_dim3A_263 = arith.constant 0.000000e+00 : f32
      %broadcast_in_dim3A_264 = vector.broadcast %broadcast_in_dim3A_263 : f32 to vector<16xf32>
      %swap3A_265 = arith.constant 96 : index
      %swap3A_266 = tpu.vector_load %arg9[%swap3A_265] {strides = array<i32>} : memref<256xf32, #tpu.memory_space<vmem>>, vector<16xf32>,
      tpu.vector_store %arg9[%swap3A_265], %broadcast_in_dim3A_264 {strides = array<i32>} : memref<256xf32, #tpu.memory_space<vmem>>, vector<16xf32>,
      %broadcast_in_dim3A_267 = arith.constant 0.000000e+00 : f32
      %broadcast_in_dim3A_268 = vector.broadcast %broadcast_in_dim3A_267 : f32 to vector<16xf32>
      %swap3A_269 = arith.constant 112 : index
      %swap3A_270 = tpu.vector_load %arg9[%swap3A_269] {strides = array<i32>} : memref<256xf32, #tpu.memory_space<vmem>>, vector<16xf32>,
      tpu.vector_store %arg9[%swap3A_269], %broadcast_in_dim3A_268 {strides = array<i32>} : memref<256xf32, #tpu.memory_space<vmem>>, vector<16xf32>,
      %broadcast_in_dim3A_271 = arith.constant 0.000000e+00 : f32
      %broadcast_in_dim3A_272 = vector.broadcast %broadcast_in_dim3A_271 : f32 to vector<16xf32>
      %swap3A_273 = arith.constant 128 : index
      %swap3A_274 = tpu.vector_load %arg9[%swap3A_273] {strides = array<i32>} : memref<256xf32, #tpu.memory_space<vmem>>, vector<16xf32>,
      tpu.vector_store %arg9[%swap3A_273], %broadcast_in_dim3A_272 {strides = array<i32>} : memref<256xf32, #tpu.memory_space<vmem>>, vector<16xf32>,
      %broadcast_in_dim3A_275 = arith.constant 0.000000e+00 : f32
      %broadcast_in_dim3A_276 = vector.broadcast %broadcast_in_dim3A_275 : f32 to vector<16xf32>
      %swap3A_277 = arith.constant 144 : index
      %swap3A_278 = tpu.vector_load %arg9[%swap3A_277] {strides = array<i32>} : memref<256xf32, #tpu.memory_space<vmem>>, vector<16xf32>,
      tpu.vector_store %arg9[%swap3A_277], %broadcast_in_dim3A_276 {strides = array<i32>} : memref<256xf32, #tpu.memory_space<vmem>>, vector<16xf32>,
      %broadcast_in_dim3A_279 = arith.constant 0.000000e+00 : f32
      %broadcast_in_dim3A_280 = vector.broadcast %broadcast_in_dim3A_279 : f32 to vector<16xf32>
      %swap3A_281 = arith.constant 160 : index
      %swap3A_282 = tpu.vector_load %arg9[%swap3A_281] {strides = array<i32>} : memref<256xf32, #tpu.memory_space<vmem>>, vector<16xf32>,
      tpu.vector_store %arg9[%swap3A_281], %broadcast_in_dim3A_280 {strides = array<i32>} : memref<256xf32, #tpu.memory_space<vmem>>, vector<16xf32>,
      %broadcast_in_dim3A_283 = arith.constant 0.000000e+00 : f32
      %broadcast_in_dim3A_284 = vector.broadcast %broadcast_in_dim3A_283 : f32 to vector<16xf32>
      %swap3A_285 = arith.constant 176 : index
      %swap3A_286 = tpu.vector_load %arg9[%swap3A_285] {strides = array<i32>} : memref<256xf32, #tpu.memory_space<vmem>>, vector<16xf32>,
      tpu.vector_store %arg9[%swap3A_285], %broadcast_in_dim3A_284 {strides = array<i32>} : memref<256xf32, #tpu.memory_space<vmem>>, vector<16xf32>,
      %broadcast_in_dim3A_287 = arith.constant 0.000000e+00 : f32
      %broadcast_in_dim3A_288 = vector.broadcast %broadcast_in_dim3A_287 : f32 to vector<16xf32>
      %swap3A_289 = arith.constant 192 : index
      %swap3A_290 = tpu.vector_load %arg9[%swap3A_289] {strides = array<i32>} : memref<256xf32, #tpu.memory_space<vmem>>, vector<16xf32>,
      tpu.vector_store %arg9[%swap3A_289], %broadcast_in_dim3A_288 {strides = array<i32>} : memref<256xf32, #tpu.memory_space<vmem>>, vector<16xf32>,
      %broadcast_in_dim3A_291 = arith.constant 0.000000e+00 : f32
      %broadcast_in_dim3A_292 = vector.broadcast %broadcast_in_dim3A_291 : f32 to vector<16xf32>
      %swap3A_293 = arith.constant 208 : index
      %swap3A_294 = tpu.vector_load %arg9[%swap3A_293] {strides = array<i32>} : memref<256xf32, #tpu.memory_space<vmem>>, vector<16xf32>,
      tpu.vector_store %arg9[%swap3A_293], %broadcast_in_dim3A_292 {strides = array<i32>} : memref<256xf32, #tpu.memory_space<vmem>>, vector<16xf32>,
      %broadcast_in_dim3A_295 = arith.constant 0.000000e+00 : f32
      %broadcast_in_dim3A_296 = vector.broadcast %broadcast_in_dim3A_295 : f32 to vector<16xf32>
      %swap3A_297 = arith.constant 224 : index
      %swap3A_298 = tpu.vector_load %arg9[%swap3A_297] {strides = array<i32>} : memref<256xf32, #tpu.memory_space<vmem>>, vector<16xf32>,
      tpu.vector_store %arg9[%swap3A_297], %broadcast_in_dim3A_296 {strides = array<i32>} : memref<256xf32, #tpu.memory_space<vmem>>, vector<16xf32>,
      %broadcast_in_dim3A_299 = arith.constant 0.000000e+00 : f32
      %broadcast_in_dim3A_300 = vector.broadcast %broadcast_in_dim3A_299 : f32 to vector<16xf32>
      %swap3A_301 = arith.constant 240 : index
      %swap3A_302 = tpu.vector_load %arg9[%swap3A_301] {strides = array<i32>} : memref<256xf32, #tpu.memory_space<vmem>>, vector<16xf32>,
      tpu.vector_store %arg9[%swap3A_301], %broadcast_in_dim3A_300 {strides = array<i32>} : memref<256xf32, #tpu.memory_space<vmem>>, vector<16xf32>,
      "tpu.region"() ({
        %run_scoped3A = tpu.sem_alloc : memref<!tpu.dma_semaphore, #tpu.memory_space<semaphore_mem>>
        tpu.enqueue_dma source(%arg9 : memref<256xf32, #tpu.memory_space<vmem>>) target(%arg10 : memref<256xf32, #tpu.memory_space<vmem_shared>>) target_semaphore(%run_scoped3A : memref<!tpu.dma_semaphore, #tpu.memory_space<semaphore_mem>>)
        tpu.wait_dma2 semaphore(%run_scoped3A : memref<!tpu.dma_semaphore, #tpu.memory_space<semaphore_mem>>) src(%arg9 : memref<256xf32, #tpu.memory_space<vmem>>) dst(%arg10 : memref<256xf32, #tpu.memory_space<vmem_shared>>)
        tpu.yield
      }) : () -> ()
      "tpu.region"() ({
        %run_scoped3A = tpu.sem_alloc : memref<!tpu.dma_semaphore, #tpu.memory_space<semaphore_mem>>
        tpu.enqueue_dma source(%arg9 : memref<256xf32, #tpu.memory_space<vmem>>) target(%arg11 : memref<256xf32, #tpu.memory_space<vmem_shared>>) target_semaphore(%run_scoped3A : memref<!tpu.dma_semaphore, #tpu.memory_space<semaphore_mem>>)
        tpu.wait_dma2 semaphore(%run_scoped3A : memref<!tpu.dma_semaphore, #tpu.memory_space<semaphore_mem>>) src(%arg9 : memref<256xf32, #tpu.memory_space<vmem>>) dst(%arg11 : memref<256xf32, #tpu.memory_space<vmem_shared>>)
        tpu.yield
      }) : () -> ()
    } else {
    }
    %barrier3A = arith.constant 0 : index
    tpu.barrier barrier_id(%barrier3A)
    %dma_wait3A = arith.constant 0 : i32
    %dma_wait3A_49 = tpu.memref_slice %arg3[%mul3A_42, %dma_wait3A] : memref<64x128xi32, #tpu.memory_space<hbm>> -> memref<4x128xi32, #tpu.memory_space<hbm>>
    %dma_wait3A_50 = arith.constant 0 : i32
    %dma_wait3A_51 = tpu.memref_slice %arg3[%mul3A_42, %dma_wait3A_50] : memref<64x128xi32, #tpu.memory_space<hbm>> -> memref<4x128xi32, #tpu.memory_space<hbm>>
    tpu.wait_dma2 semaphore(%arg16 : memref<!tpu.dma_semaphore, #tpu.memory_space<semaphore_mem>>) src(%dma_wait3A_51 : memref<4x128xi32, #tpu.memory_space<hbm>>) dst(%arg6 : memref<4x128xi32, #tpu.memory_space<vmem>>)
    %dma_wait3A_52 = arith.constant 0 : i32
    %dma_wait3A_53 = arith.constant 0 : i32
    %dma_wait3A_54 = tpu.memref_slice %arg5[%dma_wait3A_52, %dma_wait3A_53] : memref<32x512xf32, #tpu.memory_space<vmem>> -> memref<32x128xf32, #tpu.memory_space<vmem>>
    %dma_wait3A_55 = tpu.memref_slice %arg2[%mul3A_2, %add3A_3] : memref<64x8192xf32, #tpu.memory_space<hbm>> -> memref<32x128xf32, #tpu.memory_space<hbm>>
    %dma_wait3A_56 = arith.constant 0 : i32
    %dma_wait3A_57 = arith.constant 0 : i32
    %dma_wait3A_58 = tpu.memref_slice %arg5[%dma_wait3A_56, %dma_wait3A_57] : memref<32x512xf32, #tpu.memory_space<vmem>> -> memref<32x128xf32, #tpu.memory_space<vmem>>
    %dma_wait3A_59 = tpu.memref_slice %arg2[%mul3A_2, %add3A_3] : memref<64x8192xf32, #tpu.memory_space<hbm>> -> memref<32x128xf32, #tpu.memory_space<hbm>>
    tpu.wait_dma2 semaphore(%arg12 : memref<!tpu.dma_semaphore, #tpu.memory_space<semaphore_mem>>) src(%dma_wait3A_59 : memref<32x128xf32, #tpu.memory_space<hbm>>) dst(%dma_wait3A_58 : memref<32x128xf32, #tpu.memory_space<vmem>>)
    %scan3A = arith.constant 0 : i32
    %scan3A_60 = arith.constant 0 : i32
    %scan3A_61 = arith.constant 8 : i32
    %scan3A_62 = arith.addi %scan3A_60, %scan3A_61 : i32
    %scan3A_63 = arith.constant 1 : i32
    scf.for %scan3A_241 = %scan3A_60 to %scan3A_62 step %scan3A_63  : i32 {
      %mul3A_242 = arith.constant 16 : i32
      %mul3A_243 = arith.muli %scan3A_241, %mul3A_242 : i32
      %add3A_244 = arith.constant 0 : i32
      %add3A_245 = arith.addi %add3A_244, %mul3A_243 : i32
      %get3A = arith.constant 0 : i32
      %get3A_246 = arith.index_cast %get3A : i32 to index
      %get3A_247 = arith.index_cast %add3A_245 : i32 to index
      %get3A_248 = tpu.vector_load %arg5[%get3A_246, %get3A_247] {strides = array<i32>} : memref<32x512xf32, #tpu.memory_space<vmem>>, vector<16xf32>,
      %get3A_249 = arith.constant 1 : i32
      %get3A_250 = arith.index_cast %get3A_249 : i32 to index
      %get3A_251 = arith.index_cast %add3A_245 : i32 to index
      %get3A_252 = tpu.vector_load %arg5[%get3A_250, %get3A_251] {strides = array<i32>} : memref<32x512xf32, #tpu.memory_space<vmem>>, vector<16xf32>,
      %get3A_253 = arith.constant 2 : i32
      %get3A_254 = arith.index_cast %get3A_253 : i32 to index
      %get3A_255 = arith.index_cast %add3A_245 : i32 to index
      %get3A_256 = tpu.vector_load %arg5[%get3A_254, %get3A_255] {strides = array<i32>} : memref<32x512xf32, #tpu.memory_space<vmem>>, vector<16xf32>,
      %get3A_257 = arith.constant 3 : i32
      %get3A_258 = arith.index_cast %get3A_257 : i32 to index
      %get3A_259 = arith.index_cast %add3A_245 : i32 to index
      %get3A_260 = tpu.vector_load %arg5[%get3A_258, %get3A_259] {strides = array<i32>} : memref<32x512xf32, #tpu.memory_space<vmem>>, vector<16xf32>,
      %get3A_261 = arith.constant 4 : i32
      %get3A_262 = arith.index_cast %get3A_261 : i32 to index
      %get3A_263 = arith.index_cast %add3A_245 : i32 to index
      %get3A_264 = tpu.vector_load %arg5[%get3A_262, %get3A_263] {strides = array<i32>} : memref<32x512xf32, #tpu.memory_space<vmem>>, vector<16xf32>,
      %get3A_265 = arith.constant 5 : i32
      %get3A_266 = arith.index_cast %get3A_265 : i32 to index
      %get3A_267 = arith.index_cast %add3A_245 : i32 to index
      %get3A_268 = tpu.vector_load %arg5[%get3A_266, %get3A_267] {strides = array<i32>} : memref<32x512xf32, #tpu.memory_space<vmem>>, vector<16xf32>,
      %get3A_269 = arith.constant 6 : i32
      %get3A_270 = arith.index_cast %get3A_269 : i32 to index
      %get3A_271 = arith.index_cast %add3A_245 : i32 to index
      %get3A_272 = tpu.vector_load %arg5[%get3A_270, %get3A_271] {strides = array<i32>} : memref<32x512xf32, #tpu.memory_space<vmem>>, vector<16xf32>,
      %get3A_273 = arith.constant 7 : i32
      %get3A_274 = arith.index_cast %get3A_273 : i32 to index
      %get3A_275 = arith.index_cast %add3A_245 : i32 to index
      %get3A_276 = tpu.vector_load %arg5[%get3A_274, %get3A_275] {strides = array<i32>} : memref<32x512xf32, #tpu.memory_space<vmem>>, vector<16xf32>,
      %get3A_277 = arith.constant 8 : i32
      %get3A_278 = arith.index_cast %get3A_277 : i32 to index
      %get3A_279 = arith.index_cast %add3A_245 : i32 to index
      %get3A_280 = tpu.vector_load %arg5[%get3A_278, %get3A_279] {strides = array<i32>} : memref<32x512xf32, #tpu.memory_space<vmem>>, vector<16xf32>,
      %get3A_281 = arith.constant 9 : i32
      %get3A_282 = arith.index_cast %get3A_281 : i32 to index
      %get3A_283 = arith.index_cast %add3A_245 : i32 to index
      %get3A_284 = tpu.vector_load %arg5[%get3A_282, %get3A_283] {strides = array<i32>} : memref<32x512xf32, #tpu.memory_space<vmem>>, vector<16xf32>,
      %get3A_285 = arith.constant 10 : i32
      %get3A_286 = arith.index_cast %get3A_285 : i32 to index
      %get3A_287 = arith.index_cast %add3A_245 : i32 to index
      %get3A_288 = tpu.vector_load %arg5[%get3A_286, %get3A_287] {strides = array<i32>} : memref<32x512xf32, #tpu.memory_space<vmem>>, vector<16xf32>,
      %get3A_289 = arith.constant 11 : i32
      %get3A_290 = arith.index_cast %get3A_289 : i32 to index
      %get3A_291 = arith.index_cast %add3A_245 : i32 to index
      %get3A_292 = tpu.vector_load %arg5[%get3A_290, %get3A_291] {strides = array<i32>} : memref<32x512xf32, #tpu.memory_space<vmem>>, vector<16xf32>,
      %get3A_293 = arith.constant 12 : i32
      %get3A_294 = arith.index_cast %get3A_293 : i32 to index
      %get3A_295 = arith.index_cast %add3A_245 : i32 to index
      %get3A_296 = tpu.vector_load %arg5[%get3A_294, %get3A_295] {strides = array<i32>} : memref<32x512xf32, #tpu.memory_space<vmem>>, vector<16xf32>,
      %get3A_297 = arith.constant 13 : i32
      %get3A_298 = arith.index_cast %get3A_297 : i32 to index
      %get3A_299 = arith.index_cast %add3A_245 : i32 to index
      %get3A_300 = tpu.vector_load %arg5[%get3A_298, %get3A_299] {strides = array<i32>} : memref<32x512xf32, #tpu.memory_space<vmem>>, vector<16xf32>,
      %get3A_301 = arith.constant 14 : i32
      %get3A_302 = arith.index_cast %get3A_301 : i32 to index
      %get3A_303 = arith.index_cast %add3A_245 : i32 to index
      %get3A_304 = tpu.vector_load %arg5[%get3A_302, %get3A_303] {strides = array<i32>} : memref<32x512xf32, #tpu.memory_space<vmem>>, vector<16xf32>,
      %get3A_305 = arith.constant 15 : i32
      %get3A_306 = arith.index_cast %get3A_305 : i32 to index
      %get3A_307 = arith.index_cast %add3A_245 : i32 to index
      %get3A_308 = tpu.vector_load %arg5[%get3A_306, %get3A_307] {strides = array<i32>} : memref<32x512xf32, #tpu.memory_space<vmem>>, vector<16xf32>,
      %add3A_309 = arith.addf %get3A_248, %get3A_252 : vector<16xf32>
      %add3A_310 = arith.addf %get3A_256, %get3A_260 : vector<16xf32>
      %add3A_311 = arith.addf %get3A_264, %get3A_268 : vector<16xf32>
      %add3A_312 = arith.addf %get3A_272, %get3A_276 : vector<16xf32>
      %add3A_313 = arith.addf %get3A_280, %get3A_284 : vector<16xf32>
      %add3A_314 = arith.addf %get3A_288, %get3A_292 : vector<16xf32>
      %add3A_315 = arith.addf %get3A_296, %get3A_300 : vector<16xf32>
      %add3A_316 = arith.addf %get3A_304, %get3A_308 : vector<16xf32>
      %add3A_317 = arith.addf %add3A_309, %add3A_310 : vector<16xf32>
      %add3A_318 = arith.addf %add3A_311, %add3A_312 : vector<16xf32>
      %add3A_319 = arith.addf %add3A_313, %add3A_314 : vector<16xf32>
      %add3A_320 = arith.addf %add3A_315, %add3A_316 : vector<16xf32>
      %add3A_321 = arith.addf %add3A_317, %add3A_318 : vector<16xf32>
      %add3A_322 = arith.addf %add3A_319, %add3A_320 : vector<16xf32>
      %add3A_323 = arith.addf %add3A_321, %add3A_322 : vector<16xf32>
      %mul3A_324 = arith.constant 6.250000e-02 : f32
      %mul3A_325 = vector.broadcast %mul3A_324 : f32 to vector<16xf32>
      %mul3A_326 = arith.mulf %add3A_323, %mul3A_325 : vector<16xf32>
      %swap3A = arith.index_cast %add3A_245 : i32 to index
      %swap3A_327 = tpu.vector_load %arg7[%swap3A] {strides = array<i32>} : memref<512xf32, #tpu.memory_space<vmem>>, vector<16xf32>,
      tpu.vector_store %arg7[%swap3A], %mul3A_326 {strides = array<i32>} : memref<512xf32, #tpu.memory_space<vmem>>, vector<16xf32>,
      %get3A_328 = arith.constant 16 : i32
      %get3A_329 = arith.index_cast %get3A_328 : i32 to index
      %get3A_330 = arith.index_cast %add3A_245 : i32 to index
      %get3A_331 = tpu.vector_load %arg5[%get3A_329, %get3A_330] {strides = array<i32>} : memref<32x512xf32, #tpu.memory_space<vmem>>, vector<16xf32>,
      %get3A_332 = arith.constant 17 : i32
      %get3A_333 = arith.index_cast %get3A_332 : i32 to index
      %get3A_334 = arith.index_cast %add3A_245 : i32 to index
      %get3A_335 = tpu.vector_load %arg5[%get3A_333, %get3A_334] {strides = array<i32>} : memref<32x512xf32, #tpu.memory_space<vmem>>, vector<16xf32>,
      %get3A_336 = arith.constant 18 : i32
      %get3A_337 = arith.index_cast %get3A_336 : i32 to index
      %get3A_338 = arith.index_cast %add3A_245 : i32 to index
      %get3A_339 = tpu.vector_load %arg5[%get3A_337, %get3A_338] {strides = array<i32>} : memref<32x512xf32, #tpu.memory_space<vmem>>, vector<16xf32>,
      %get3A_340 = arith.constant 19 : i32
      %get3A_341 = arith.index_cast %get3A_340 : i32 to index
      %get3A_342 = arith.index_cast %add3A_245 : i32 to index
      %get3A_343 = tpu.vector_load %arg5[%get3A_341, %get3A_342] {strides = array<i32>} : memref<32x512xf32, #tpu.memory_space<vmem>>, vector<16xf32>,
      %get3A_344 = arith.constant 20 : i32
      %get3A_345 = arith.index_cast %get3A_344 : i32 to index
      %get3A_346 = arith.index_cast %add3A_245 : i32 to index
      %get3A_347 = tpu.vector_load %arg5[%get3A_345, %get3A_346] {strides = array<i32>} : memref<32x512xf32, #tpu.memory_space<vmem>>, vector<16xf32>,
      %get3A_348 = arith.constant 21 : i32
      %get3A_349 = arith.index_cast %get3A_348 : i32 to index
      %get3A_350 = arith.index_cast %add3A_245 : i32 to index
      %get3A_351 = tpu.vector_load %arg5[%get3A_349, %get3A_350] {strides = array<i32>} : memref<32x512xf32, #tpu.memory_space<vmem>>, vector<16xf32>,
      %get3A_352 = arith.constant 22 : i32
      %get3A_353 = arith.index_cast %get3A_352 : i32 to index
      %get3A_354 = arith.index_cast %add3A_245 : i32 to index
      %get3A_355 = tpu.vector_load %arg5[%get3A_353, %get3A_354] {strides = array<i32>} : memref<32x512xf32, #tpu.memory_space<vmem>>, vector<16xf32>,
      %get3A_356 = arith.constant 23 : i32
      %get3A_357 = arith.index_cast %get3A_356 : i32 to index
      %get3A_358 = arith.index_cast %add3A_245 : i32 to index
      %get3A_359 = tpu.vector_load %arg5[%get3A_357, %get3A_358] {strides = array<i32>} : memref<32x512xf32, #tpu.memory_space<vmem>>, vector<16xf32>,
      %get3A_360 = arith.constant 24 : i32
      %get3A_361 = arith.index_cast %get3A_360 : i32 to index
      %get3A_362 = arith.index_cast %add3A_245 : i32 to index
      %get3A_363 = tpu.vector_load %arg5[%get3A_361, %get3A_362] {strides = array<i32>} : memref<32x512xf32, #tpu.memory_space<vmem>>, vector<16xf32>,
      %get3A_364 = arith.constant 25 : i32
      %get3A_365 = arith.index_cast %get3A_364 : i32 to index
      %get3A_366 = arith.index_cast %add3A_245 : i32 to index
      %get3A_367 = tpu.vector_load %arg5[%get3A_365, %get3A_366] {strides = array<i32>} : memref<32x512xf32, #tpu.memory_space<vmem>>, vector<16xf32>,
      %get3A_368 = arith.constant 26 : i32
      %get3A_369 = arith.index_cast %get3A_368 : i32 to index
      %get3A_370 = arith.index_cast %add3A_245 : i32 to index
      %get3A_371 = tpu.vector_load %arg5[%get3A_369, %get3A_370] {strides = array<i32>} : memref<32x512xf32, #tpu.memory_space<vmem>>, vector<16xf32>,
      %get3A_372 = arith.constant 27 : i32
      %get3A_373 = arith.index_cast %get3A_372 : i32 to index
      %get3A_374 = arith.index_cast %add3A_245 : i32 to index
      %get3A_375 = tpu.vector_load %arg5[%get3A_373, %get3A_374] {strides = array<i32>} : memref<32x512xf32, #tpu.memory_space<vmem>>, vector<16xf32>,
      %get3A_376 = arith.constant 28 : i32
      %get3A_377 = arith.index_cast %get3A_376 : i32 to index
      %get3A_378 = arith.index_cast %add3A_245 : i32 to index
      %get3A_379 = tpu.vector_load %arg5[%get3A_377, %get3A_378] {strides = array<i32>} : memref<32x512xf32, #tpu.memory_space<vmem>>, vector<16xf32>,
      %get3A_380 = arith.constant 29 : i32
      %get3A_381 = arith.index_cast %get3A_380 : i32 to index
      %get3A_382 = arith.index_cast %add3A_245 : i32 to index
      %get3A_383 = tpu.vector_load %arg5[%get3A_381, %get3A_382] {strides = array<i32>} : memref<32x512xf32, #tpu.memory_space<vmem>>, vector<16xf32>,
      %get3A_384 = arith.constant 30 : i32
      %get3A_385 = arith.index_cast %get3A_384 : i32 to index
      %get3A_386 = arith.index_cast %add3A_245 : i32 to index
      %get3A_387 = tpu.vector_load %arg5[%get3A_385, %get3A_386] {strides = array<i32>} : memref<32x512xf32, #tpu.memory_space<vmem>>, vector<16xf32>,
      %get3A_388 = arith.constant 31 : i32
      %get3A_389 = arith.index_cast %get3A_388 : i32 to index
      %get3A_390 = arith.index_cast %add3A_245 : i32 to index
      %get3A_391 = tpu.vector_load %arg5[%get3A_389, %get3A_390] {strides = array<i32>} : memref<32x512xf32, #tpu.memory_space<vmem>>, vector<16xf32>,
      %add3A_392 = arith.addf %get3A_331, %get3A_335 : vector<16xf32>
      %add3A_393 = arith.addf %get3A_339, %get3A_343 : vector<16xf32>
      %add3A_394 = arith.addf %get3A_347, %get3A_351 : vector<16xf32>
      %add3A_395 = arith.addf %get3A_355, %get3A_359 : vector<16xf32>
      %add3A_396 = arith.addf %get3A_363, %get3A_367 : vector<16xf32>
      %add3A_397 = arith.addf %get3A_371, %get3A_375 : vector<16xf32>
      %add3A_398 = arith.addf %get3A_379, %get3A_383 : vector<16xf32>
      %add3A_399 = arith.addf %get3A_387, %get3A_391 : vector<16xf32>
      %add3A_400 = arith.addf %add3A_392, %add3A_393 : vector<16xf32>
      %add3A_401 = arith.addf %add3A_394, %add3A_395 : vector<16xf32>
      %add3A_402 = arith.addf %add3A_396, %add3A_397 : vector<16xf32>
      %add3A_403 = arith.addf %add3A_398, %add3A_399 : vector<16xf32>
      %add3A_404 = arith.addf %add3A_400, %add3A_401 : vector<16xf32>
      %add3A_405 = arith.addf %add3A_402, %add3A_403 : vector<16xf32>
      %add3A_406 = arith.addf %add3A_404, %add3A_405 : vector<16xf32>
      %mul3A_407 = arith.constant 6.250000e-02 : f32
      %mul3A_408 = vector.broadcast %mul3A_407 : f32 to vector<16xf32>
      %mul3A_409 = arith.mulf %add3A_406, %mul3A_408 : vector<16xf32>
      %swap3A_410 = arith.index_cast %add3A_245 : i32 to index
      %swap3A_411 = tpu.vector_load %arg8[%swap3A_410] {strides = array<i32>} : memref<512xf32, #tpu.memory_space<vmem>>, vector<16xf32>,
      tpu.vector_store %arg8[%swap3A_410], %mul3A_409 {strides = array<i32>} : memref<512xf32, #tpu.memory_space<vmem>>, vector<16xf32>,
    }
    %scan3A_64 = arith.constant 8 : i32
    %dma_start3A_65 = arith.constant 0 : i32
    %dma_start3A_66 = arith.constant 0 : i32
    %dma_start3A_67 = tpu.memref_slice %arg7[%dma_start3A_66] : memref<512xf32, #tpu.memory_space<vmem>> -> memref<128xf32, #tpu.memory_space<vmem>>
    %dma_start3A_68 = arith.constant 0 : i32
    %dma_start3A_69 = tpu.memref_slice %arg6[%dma_start3A_65, %dma_start3A_68] : memref<4x128xi32, #tpu.memory_space<vmem>> -> memref<1x128xi32, #tpu.memory_space<vmem>>
    %dma_start3A_70 = tpu.memref_squeeze %dma_start3A_69 : memref<1x128xi32, #tpu.memory_space<vmem>> -> memref<128xi32, #tpu.memory_space<vmem>>
    %dma_start3A_71 = arith.constant 0 : i32
    %dma_start3A_72 = tpu.memref_slice %arg10[%dma_start3A_71] : memref<256xf32, #tpu.memory_space<vmem_shared>> -> memref<256xf32, #tpu.memory_space<vmem_shared>>
    tpu.enqueue_indirect_dma source(%dma_start3A_67 : memref<128xf32, #tpu.memory_space<vmem>>) target(%dma_start3A_72 : memref<256xf32, #tpu.memory_space<vmem_shared>>) offsets(%dma_start3A_70 : memref<128xi32, #tpu.memory_space<vmem>>) semaphore(%arg17 : memref<!tpu.dma_semaphore, #tpu.memory_space<semaphore_mem>>) {add = true}
    %dma_start3A_73 = arith.constant 0 : i32
    %dma_start3A_74 = arith.constant 0 : i32
    %dma_start3A_75 = tpu.memref_slice %arg8[%dma_start3A_74] : memref<512xf32, #tpu.memory_space<vmem>> -> memref<128xf32, #tpu.memory_space<vmem>>
    %dma_start3A_76 = arith.constant 0 : i32
    %dma_start3A_77 = tpu.memref_slice %arg6[%dma_start3A_73, %dma_start3A_76] : memref<4x128xi32, #tpu.memory_space<vmem>> -> memref<1x128xi32, #tpu.memory_space<vmem>>
    %dma_start3A_78 = tpu.memref_squeeze %dma_start3A_77 : memref<1x128xi32, #tpu.memory_space<vmem>> -> memref<128xi32, #tpu.memory_space<vmem>>
    %dma_start3A_79 = arith.constant 0 : i32
    %dma_start3A_80 = tpu.memref_slice %arg11[%dma_start3A_79] : memref<256xf32, #tpu.memory_space<vmem_shared>> -> memref<256xf32, #tpu.memory_space<vmem_shared>>
    tpu.enqueue_indirect_dma source(%dma_start3A_75 : memref<128xf32, #tpu.memory_space<vmem>>) target(%dma_start3A_80 : memref<256xf32, #tpu.memory_space<vmem_shared>>) offsets(%dma_start3A_78 : memref<128xi32, #tpu.memory_space<vmem>>) semaphore(%arg17 : memref<!tpu.dma_semaphore, #tpu.memory_space<semaphore_mem>>) {add = true}
    %dma_wait3A_81 = arith.constant 0 : i32
    %dma_wait3A_82 = arith.constant 128 : i32
    %dma_wait3A_83 = tpu.memref_slice %arg5[%dma_wait3A_81, %dma_wait3A_82] : memref<32x512xf32, #tpu.memory_space<vmem>> -> memref<32x128xf32, #tpu.memory_space<vmem>>
    %dma_wait3A_84 = tpu.memref_slice %arg2[%mul3A_2, %add3A_12] : memref<64x8192xf32, #tpu.memory_space<hbm>> -> memref<32x128xf32, #tpu.memory_space<hbm>>
    %dma_wait3A_85 = arith.constant 0 : i32
    %dma_wait3A_86 = arith.constant 128 : i32
    %dma_wait3A_87 = tpu.memref_slice %arg5[%dma_wait3A_85, %dma_wait3A_86] : memref<32x512xf32, #tpu.memory_space<vmem>> -> memref<32x128xf32, #tpu.memory_space<vmem>>
    %dma_wait3A_88 = tpu.memref_slice %arg2[%mul3A_2, %add3A_12] : memref<64x8192xf32, #tpu.memory_space<hbm>> -> memref<32x128xf32, #tpu.memory_space<hbm>>
    tpu.wait_dma2 semaphore(%arg13 : memref<!tpu.dma_semaphore, #tpu.memory_space<semaphore_mem>>) src(%dma_wait3A_88 : memref<32x128xf32, #tpu.memory_space<hbm>>) dst(%dma_wait3A_87 : memref<32x128xf32, #tpu.memory_space<vmem>>)
    %scan3A_89 = arith.constant 0 : i32
    %scan3A_90 = arith.constant 0 : i32
    %scan3A_91 = arith.constant 8 : i32
    %scan3A_92 = arith.addi %scan3A_90, %scan3A_91 : i32
    %scan3A_93 = arith.constant 1 : i32
    scf.for %scan3A_241 = %scan3A_90 to %scan3A_92 step %scan3A_93  : i32 {
      %mul3A_242 = arith.constant 16 : i32
      %mul3A_243 = arith.muli %scan3A_241, %mul3A_242 : i32
      %add3A_244 = arith.constant 128 : i32
      %add3A_245 = arith.addi %add3A_244, %mul3A_243 : i32
      %get3A = arith.constant 0 : i32
      %get3A_246 = arith.index_cast %get3A : i32 to index
      %get3A_247 = arith.index_cast %add3A_245 : i32 to index
      %get3A_248 = tpu.vector_load %arg5[%get3A_246, %get3A_247] {strides = array<i32>} : memref<32x512xf32, #tpu.memory_space<vmem>>, vector<16xf32>,
      %get3A_249 = arith.constant 1 : i32
      %get3A_250 = arith.index_cast %get3A_249 : i32 to index
      %get3A_251 = arith.index_cast %add3A_245 : i32 to index
      %get3A_252 = tpu.vector_load %arg5[%get3A_250, %get3A_251] {strides = array<i32>} : memref<32x512xf32, #tpu.memory_space<vmem>>, vector<16xf32>,
      %get3A_253 = arith.constant 2 : i32
      %get3A_254 = arith.index_cast %get3A_253 : i32 to index
      %get3A_255 = arith.index_cast %add3A_245 : i32 to index
      %get3A_256 = tpu.vector_load %arg5[%get3A_254, %get3A_255] {strides = array<i32>} : memref<32x512xf32, #tpu.memory_space<vmem>>, vector<16xf32>,
      %get3A_257 = arith.constant 3 : i32
      %get3A_258 = arith.index_cast %get3A_257 : i32 to index
      %get3A_259 = arith.index_cast %add3A_245 : i32 to index
      %get3A_260 = tpu.vector_load %arg5[%get3A_258, %get3A_259] {strides = array<i32>} : memref<32x512xf32, #tpu.memory_space<vmem>>, vector<16xf32>,
      %get3A_261 = arith.constant 4 : i32
      %get3A_262 = arith.index_cast %get3A_261 : i32 to index
      %get3A_263 = arith.index_cast %add3A_245 : i32 to index
      %get3A_264 = tpu.vector_load %arg5[%get3A_262, %get3A_263] {strides = array<i32>} : memref<32x512xf32, #tpu.memory_space<vmem>>, vector<16xf32>,
      %get3A_265 = arith.constant 5 : i32
      %get3A_266 = arith.index_cast %get3A_265 : i32 to index
      %get3A_267 = arith.index_cast %add3A_245 : i32 to index
      %get3A_268 = tpu.vector_load %arg5[%get3A_266, %get3A_267] {strides = array<i32>} : memref<32x512xf32, #tpu.memory_space<vmem>>, vector<16xf32>,
      %get3A_269 = arith.constant 6 : i32
      %get3A_270 = arith.index_cast %get3A_269 : i32 to index
      %get3A_271 = arith.index_cast %add3A_245 : i32 to index
      %get3A_272 = tpu.vector_load %arg5[%get3A_270, %get3A_271] {strides = array<i32>} : memref<32x512xf32, #tpu.memory_space<vmem>>, vector<16xf32>,
      %get3A_273 = arith.constant 7 : i32
      %get3A_274 = arith.index_cast %get3A_273 : i32 to index
      %get3A_275 = arith.index_cast %add3A_245 : i32 to index
      %get3A_276 = tpu.vector_load %arg5[%get3A_274, %get3A_275] {strides = array<i32>} : memref<32x512xf32, #tpu.memory_space<vmem>>, vector<16xf32>,
      %get3A_277 = arith.constant 8 : i32
      %get3A_278 = arith.index_cast %get3A_277 : i32 to index
      %get3A_279 = arith.index_cast %add3A_245 : i32 to index
      %get3A_280 = tpu.vector_load %arg5[%get3A_278, %get3A_279] {strides = array<i32>} : memref<32x512xf32, #tpu.memory_space<vmem>>, vector<16xf32>,
      %get3A_281 = arith.constant 9 : i32
      %get3A_282 = arith.index_cast %get3A_281 : i32 to index
      %get3A_283 = arith.index_cast %add3A_245 : i32 to index
      %get3A_284 = tpu.vector_load %arg5[%get3A_282, %get3A_283] {strides = array<i32>} : memref<32x512xf32, #tpu.memory_space<vmem>>, vector<16xf32>,
      %get3A_285 = arith.constant 10 : i32
      %get3A_286 = arith.index_cast %get3A_285 : i32 to index
      %get3A_287 = arith.index_cast %add3A_245 : i32 to index
      %get3A_288 = tpu.vector_load %arg5[%get3A_286, %get3A_287] {strides = array<i32>} : memref<32x512xf32, #tpu.memory_space<vmem>>, vector<16xf32>,
      %get3A_289 = arith.constant 11 : i32
      %get3A_290 = arith.index_cast %get3A_289 : i32 to index
      %get3A_291 = arith.index_cast %add3A_245 : i32 to index
      %get3A_292 = tpu.vector_load %arg5[%get3A_290, %get3A_291] {strides = array<i32>} : memref<32x512xf32, #tpu.memory_space<vmem>>, vector<16xf32>,
      %get3A_293 = arith.constant 12 : i32
      %get3A_294 = arith.index_cast %get3A_293 : i32 to index
      %get3A_295 = arith.index_cast %add3A_245 : i32 to index
      %get3A_296 = tpu.vector_load %arg5[%get3A_294, %get3A_295] {strides = array<i32>} : memref<32x512xf32, #tpu.memory_space<vmem>>, vector<16xf32>,
      %get3A_297 = arith.constant 13 : i32
      %get3A_298 = arith.index_cast %get3A_297 : i32 to index
      %get3A_299 = arith.index_cast %add3A_245 : i32 to index
      %get3A_300 = tpu.vector_load %arg5[%get3A_298, %get3A_299] {strides = array<i32>} : memref<32x512xf32, #tpu.memory_space<vmem>>, vector<16xf32>,
      %get3A_301 = arith.constant 14 : i32
      %get3A_302 = arith.index_cast %get3A_301 : i32 to index
      %get3A_303 = arith.index_cast %add3A_245 : i32 to index
      %get3A_304 = tpu.vector_load %arg5[%get3A_302, %get3A_303] {strides = array<i32>} : memref<32x512xf32, #tpu.memory_space<vmem>>, vector<16xf32>,
      %get3A_305 = arith.constant 15 : i32
      %get3A_306 = arith.index_cast %get3A_305 : i32 to index
      %get3A_307 = arith.index_cast %add3A_245 : i32 to index
      %get3A_308 = tpu.vector_load %arg5[%get3A_306, %get3A_307] {strides = array<i32>} : memref<32x512xf32, #tpu.memory_space<vmem>>, vector<16xf32>,
      %add3A_309 = arith.addf %get3A_248, %get3A_252 : vector<16xf32>
      %add3A_310 = arith.addf %get3A_256, %get3A_260 : vector<16xf32>
      %add3A_311 = arith.addf %get3A_264, %get3A_268 : vector<16xf32>
      %add3A_312 = arith.addf %get3A_272, %get3A_276 : vector<16xf32>
      %add3A_313 = arith.addf %get3A_280, %get3A_284 : vector<16xf32>
      %add3A_314 = arith.addf %get3A_288, %get3A_292 : vector<16xf32>
      %add3A_315 = arith.addf %get3A_296, %get3A_300 : vector<16xf32>
      %add3A_316 = arith.addf %get3A_304, %get3A_308 : vector<16xf32>
      %add3A_317 = arith.addf %add3A_309, %add3A_310 : vector<16xf32>
      %add3A_318 = arith.addf %add3A_311, %add3A_312 : vector<16xf32>
      %add3A_319 = arith.addf %add3A_313, %add3A_314 : vector<16xf32>
      %add3A_320 = arith.addf %add3A_315, %add3A_316 : vector<16xf32>
      %add3A_321 = arith.addf %add3A_317, %add3A_318 : vector<16xf32>
      %add3A_322 = arith.addf %add3A_319, %add3A_320 : vector<16xf32>
      %add3A_323 = arith.addf %add3A_321, %add3A_322 : vector<16xf32>
      %mul3A_324 = arith.constant 6.250000e-02 : f32
      %mul3A_325 = vector.broadcast %mul3A_324 : f32 to vector<16xf32>
      %mul3A_326 = arith.mulf %add3A_323, %mul3A_325 : vector<16xf32>
      %swap3A = arith.index_cast %add3A_245 : i32 to index
      %swap3A_327 = tpu.vector_load %arg7[%swap3A] {strides = array<i32>} : memref<512xf32, #tpu.memory_space<vmem>>, vector<16xf32>,
      tpu.vector_store %arg7[%swap3A], %mul3A_326 {strides = array<i32>} : memref<512xf32, #tpu.memory_space<vmem>>, vector<16xf32>,
      %get3A_328 = arith.constant 16 : i32
      %get3A_329 = arith.index_cast %get3A_328 : i32 to index
      %get3A_330 = arith.index_cast %add3A_245 : i32 to index
      %get3A_331 = tpu.vector_load %arg5[%get3A_329, %get3A_330] {strides = array<i32>} : memref<32x512xf32, #tpu.memory_space<vmem>>, vector<16xf32>,
      %get3A_332 = arith.constant 17 : i32
      %get3A_333 = arith.index_cast %get3A_332 : i32 to index
      %get3A_334 = arith.index_cast %add3A_245 : i32 to index
      %get3A_335 = tpu.vector_load %arg5[%get3A_333, %get3A_334] {strides = array<i32>} : memref<32x512xf32, #tpu.memory_space<vmem>>, vector<16xf32>,
      %get3A_336 = arith.constant 18 : i32
      %get3A_337 = arith.index_cast %get3A_336 : i32 to index
      %get3A_338 = arith.index_cast %add3A_245 : i32 to index
      %get3A_339 = tpu.vector_load %arg5[%get3A_337, %get3A_338] {strides = array<i32>} : memref<32x512xf32, #tpu.memory_space<vmem>>, vector<16xf32>,
      %get3A_340 = arith.constant 19 : i32
      %get3A_341 = arith.index_cast %get3A_340 : i32 to index
      %get3A_342 = arith.index_cast %add3A_245 : i32 to index
      %get3A_343 = tpu.vector_load %arg5[%get3A_341, %get3A_342] {strides = array<i32>} : memref<32x512xf32, #tpu.memory_space<vmem>>, vector<16xf32>,
      %get3A_344 = arith.constant 20 : i32
      %get3A_345 = arith.index_cast %get3A_344 : i32 to index
      %get3A_346 = arith.index_cast %add3A_245 : i32 to index
      %get3A_347 = tpu.vector_load %arg5[%get3A_345, %get3A_346] {strides = array<i32>} : memref<32x512xf32, #tpu.memory_space<vmem>>, vector<16xf32>,
      %get3A_348 = arith.constant 21 : i32
      %get3A_349 = arith.index_cast %get3A_348 : i32 to index
      %get3A_350 = arith.index_cast %add3A_245 : i32 to index
      %get3A_351 = tpu.vector_load %arg5[%get3A_349, %get3A_350] {strides = array<i32>} : memref<32x512xf32, #tpu.memory_space<vmem>>, vector<16xf32>,
      %get3A_352 = arith.constant 22 : i32
      %get3A_353 = arith.index_cast %get3A_352 : i32 to index
      %get3A_354 = arith.index_cast %add3A_245 : i32 to index
      %get3A_355 = tpu.vector_load %arg5[%get3A_353, %get3A_354] {strides = array<i32>} : memref<32x512xf32, #tpu.memory_space<vmem>>, vector<16xf32>,
      %get3A_356 = arith.constant 23 : i32
      %get3A_357 = arith.index_cast %get3A_356 : i32 to index
      %get3A_358 = arith.index_cast %add3A_245 : i32 to index
      %get3A_359 = tpu.vector_load %arg5[%get3A_357, %get3A_358] {strides = array<i32>} : memref<32x512xf32, #tpu.memory_space<vmem>>, vector<16xf32>,
      %get3A_360 = arith.constant 24 : i32
      %get3A_361 = arith.index_cast %get3A_360 : i32 to index
      %get3A_362 = arith.index_cast %add3A_245 : i32 to index
      %get3A_363 = tpu.vector_load %arg5[%get3A_361, %get3A_362] {strides = array<i32>} : memref<32x512xf32, #tpu.memory_space<vmem>>, vector<16xf32>,
      %get3A_364 = arith.constant 25 : i32
      %get3A_365 = arith.index_cast %get3A_364 : i32 to index
      %get3A_366 = arith.index_cast %add3A_245 : i32 to index
      %get3A_367 = tpu.vector_load %arg5[%get3A_365, %get3A_366] {strides = array<i32>} : memref<32x512xf32, #tpu.memory_space<vmem>>, vector<16xf32>,
      %get3A_368 = arith.constant 26 : i32
      %get3A_369 = arith.index_cast %get3A_368 : i32 to index
      %get3A_370 = arith.index_cast %add3A_245 : i32 to index
      %get3A_371 = tpu.vector_load %arg5[%get3A_369, %get3A_370] {strides = array<i32>} : memref<32x512xf32, #tpu.memory_space<vmem>>, vector<16xf32>,
      %get3A_372 = arith.constant 27 : i32
      %get3A_373 = arith.index_cast %get3A_372 : i32 to index
      %get3A_374 = arith.index_cast %add3A_245 : i32 to index
      %get3A_375 = tpu.vector_load %arg5[%get3A_373, %get3A_374] {strides = array<i32>} : memref<32x512xf32, #tpu.memory_space<vmem>>, vector<16xf32>,
      %get3A_376 = arith.constant 28 : i32
      %get3A_377 = arith.index_cast %get3A_376 : i32 to index
      %get3A_378 = arith.index_cast %add3A_245 : i32 to index
      %get3A_379 = tpu.vector_load %arg5[%get3A_377, %get3A_378] {strides = array<i32>} : memref<32x512xf32, #tpu.memory_space<vmem>>, vector<16xf32>,
      %get3A_380 = arith.constant 29 : i32
      %get3A_381 = arith.index_cast %get3A_380 : i32 to index
      %get3A_382 = arith.index_cast %add3A_245 : i32 to index
      %get3A_383 = tpu.vector_load %arg5[%get3A_381, %get3A_382] {strides = array<i32>} : memref<32x512xf32, #tpu.memory_space<vmem>>, vector<16xf32>,
      %get3A_384 = arith.constant 30 : i32
      %get3A_385 = arith.index_cast %get3A_384 : i32 to index
      %get3A_386 = arith.index_cast %add3A_245 : i32 to index
      %get3A_387 = tpu.vector_load %arg5[%get3A_385, %get3A_386] {strides = array<i32>} : memref<32x512xf32, #tpu.memory_space<vmem>>, vector<16xf32>,
      %get3A_388 = arith.constant 31 : i32
      %get3A_389 = arith.index_cast %get3A_388 : i32 to index
      %get3A_390 = arith.index_cast %add3A_245 : i32 to index
      %get3A_391 = tpu.vector_load %arg5[%get3A_389, %get3A_390] {strides = array<i32>} : memref<32x512xf32, #tpu.memory_space<vmem>>, vector<16xf32>,
      %add3A_392 = arith.addf %get3A_331, %get3A_335 : vector<16xf32>
      %add3A_393 = arith.addf %get3A_339, %get3A_343 : vector<16xf32>
      %add3A_394 = arith.addf %get3A_347, %get3A_351 : vector<16xf32>
      %add3A_395 = arith.addf %get3A_355, %get3A_359 : vector<16xf32>
      %add3A_396 = arith.addf %get3A_363, %get3A_367 : vector<16xf32>
      %add3A_397 = arith.addf %get3A_371, %get3A_375 : vector<16xf32>
      %add3A_398 = arith.addf %get3A_379, %get3A_383 : vector<16xf32>
      %add3A_399 = arith.addf %get3A_387, %get3A_391 : vector<16xf32>
      %add3A_400 = arith.addf %add3A_392, %add3A_393 : vector<16xf32>
      %add3A_401 = arith.addf %add3A_394, %add3A_395 : vector<16xf32>
      %add3A_402 = arith.addf %add3A_396, %add3A_397 : vector<16xf32>
      %add3A_403 = arith.addf %add3A_398, %add3A_399 : vector<16xf32>
      %add3A_404 = arith.addf %add3A_400, %add3A_401 : vector<16xf32>
      %add3A_405 = arith.addf %add3A_402, %add3A_403 : vector<16xf32>
      %add3A_406 = arith.addf %add3A_404, %add3A_405 : vector<16xf32>
      %mul3A_407 = arith.constant 6.250000e-02 : f32
      %mul3A_408 = vector.broadcast %mul3A_407 : f32 to vector<16xf32>
      %mul3A_409 = arith.mulf %add3A_406, %mul3A_408 : vector<16xf32>
      %swap3A_410 = arith.index_cast %add3A_245 : i32 to index
      %swap3A_411 = tpu.vector_load %arg8[%swap3A_410] {strides = array<i32>} : memref<512xf32, #tpu.memory_space<vmem>>, vector<16xf32>,
      tpu.vector_store %arg8[%swap3A_410], %mul3A_409 {strides = array<i32>} : memref<512xf32, #tpu.memory_space<vmem>>, vector<16xf32>,
    }
    %scan3A_94 = arith.constant 8 : i32
    %dma_start3A_95 = arith.constant 1 : i32
    %dma_start3A_96 = arith.constant 128 : i32
    %dma_start3A_97 = tpu.memref_slice %arg7[%dma_start3A_96] : memref<512xf32, #tpu.memory_space<vmem>> -> memref<128xf32, #tpu.memory_space<vmem>>
    %dma_start3A_98 = arith.constant 0 : i32
    %dma_start3A_99 = tpu.memref_slice %arg6[%dma_start3A_95, %dma_start3A_98] : memref<4x128xi32, #tpu.memory_space<vmem>> -> memref<1x128xi32, #tpu.memory_space<vmem>>
    %dma_start3A_100 = tpu.memref_squeeze %dma_start3A_99 : memref<1x128xi32, #tpu.memory_space<vmem>> -> memref<128xi32, #tpu.memory_space<vmem>>
    %dma_start3A_101 = arith.constant 0 : i32
    %dma_start3A_102 = tpu.memref_slice %arg10[%dma_start3A_101] : memref<256xf32, #tpu.memory_space<vmem_shared>> -> memref<256xf32, #tpu.memory_space<vmem_shared>>
    tpu.enqueue_indirect_dma source(%dma_start3A_97 : memref<128xf32, #tpu.memory_space<vmem>>) target(%dma_start3A_102 : memref<256xf32, #tpu.memory_space<vmem_shared>>) offsets(%dma_start3A_100 : memref<128xi32, #tpu.memory_space<vmem>>) semaphore(%arg17 : memref<!tpu.dma_semaphore, #tpu.memory_space<semaphore_mem>>) {add = true}
    %dma_start3A_103 = arith.constant 1 : i32
    %dma_start3A_104 = arith.constant 128 : i32
    %dma_start3A_105 = tpu.memref_slice %arg8[%dma_start3A_104] : memref<512xf32, #tpu.memory_space<vmem>> -> memref<128xf32, #tpu.memory_space<vmem>>
    %dma_start3A_106 = arith.constant 0 : i32
    %dma_start3A_107 = tpu.memref_slice %arg6[%dma_start3A_103, %dma_start3A_106] : memref<4x128xi32, #tpu.memory_space<vmem>> -> memref<1x128xi32, #tpu.memory_space<vmem>>
    %dma_start3A_108 = tpu.memref_squeeze %dma_start3A_107 : memref<1x128xi32, #tpu.memory_space<vmem>> -> memref<128xi32, #tpu.memory_space<vmem>>
    %dma_start3A_109 = arith.constant 0 : i32
    %dma_start3A_110 = tpu.memref_slice %arg11[%dma_start3A_109] : memref<256xf32, #tpu.memory_space<vmem_shared>> -> memref<256xf32, #tpu.memory_space<vmem_shared>>
    tpu.enqueue_indirect_dma source(%dma_start3A_105 : memref<128xf32, #tpu.memory_space<vmem>>) target(%dma_start3A_110 : memref<256xf32, #tpu.memory_space<vmem_shared>>) offsets(%dma_start3A_108 : memref<128xi32, #tpu.memory_space<vmem>>) semaphore(%arg17 : memref<!tpu.dma_semaphore, #tpu.memory_space<semaphore_mem>>) {add = true}
    %dma_wait3A_111 = arith.constant 0 : i32
    %dma_wait3A_112 = arith.constant 256 : i32
    %dma_wait3A_113 = tpu.memref_slice %arg5[%dma_wait3A_111, %dma_wait3A_112] : memref<32x512xf32, #tpu.memory_space<vmem>> -> memref<32x128xf32, #tpu.memory_space<vmem>>
    %dma_wait3A_114 = tpu.memref_slice %arg2[%mul3A_2, %add3A_22] : memref<64x8192xf32, #tpu.memory_space<hbm>> -> memref<32x128xf32, #tpu.memory_space<hbm>>
    %dma_wait3A_115 = arith.constant 0 : i32
    %dma_wait3A_116 = arith.constant 256 : i32
    %dma_wait3A_117 = tpu.memref_slice %arg5[%dma_wait3A_115, %dma_wait3A_116] : memref<32x512xf32, #tpu.memory_space<vmem>> -> memref<32x128xf32, #tpu.memory_space<vmem>>
    %dma_wait3A_118 = tpu.memref_slice %arg2[%mul3A_2, %add3A_22] : memref<64x8192xf32, #tpu.memory_space<hbm>> -> memref<32x128xf32, #tpu.memory_space<hbm>>
    tpu.wait_dma2 semaphore(%arg14 : memref<!tpu.dma_semaphore, #tpu.memory_space<semaphore_mem>>) src(%dma_wait3A_118 : memref<32x128xf32, #tpu.memory_space<hbm>>) dst(%dma_wait3A_117 : memref<32x128xf32, #tpu.memory_space<vmem>>)
    %scan3A_119 = arith.constant 0 : i32
    %scan3A_120 = arith.constant 0 : i32
    %scan3A_121 = arith.constant 8 : i32
    %scan3A_122 = arith.addi %scan3A_120, %scan3A_121 : i32
    %scan3A_123 = arith.constant 1 : i32
    scf.for %scan3A_241 = %scan3A_120 to %scan3A_122 step %scan3A_123  : i32 {
      %mul3A_242 = arith.constant 16 : i32
      %mul3A_243 = arith.muli %scan3A_241, %mul3A_242 : i32
      %add3A_244 = arith.constant 256 : i32
      %add3A_245 = arith.addi %add3A_244, %mul3A_243 : i32
      %get3A = arith.constant 0 : i32
      %get3A_246 = arith.index_cast %get3A : i32 to index
      %get3A_247 = arith.index_cast %add3A_245 : i32 to index
      %get3A_248 = tpu.vector_load %arg5[%get3A_246, %get3A_247] {strides = array<i32>} : memref<32x512xf32, #tpu.memory_space<vmem>>, vector<16xf32>,
      %get3A_249 = arith.constant 1 : i32
      %get3A_250 = arith.index_cast %get3A_249 : i32 to index
      %get3A_251 = arith.index_cast %add3A_245 : i32 to index
      %get3A_252 = tpu.vector_load %arg5[%get3A_250, %get3A_251] {strides = array<i32>} : memref<32x512xf32, #tpu.memory_space<vmem>>, vector<16xf32>,
      %get3A_253 = arith.constant 2 : i32
      %get3A_254 = arith.index_cast %get3A_253 : i32 to index
      %get3A_255 = arith.index_cast %add3A_245 : i32 to index
      %get3A_256 = tpu.vector_load %arg5[%get3A_254, %get3A_255] {strides = array<i32>} : memref<32x512xf32, #tpu.memory_space<vmem>>, vector<16xf32>,
      %get3A_257 = arith.constant 3 : i32
      %get3A_258 = arith.index_cast %get3A_257 : i32 to index
      %get3A_259 = arith.index_cast %add3A_245 : i32 to index
      %get3A_260 = tpu.vector_load %arg5[%get3A_258, %get3A_259] {strides = array<i32>} : memref<32x512xf32, #tpu.memory_space<vmem>>, vector<16xf32>,
      %get3A_261 = arith.constant 4 : i32
      %get3A_262 = arith.index_cast %get3A_261 : i32 to index
      %get3A_263 = arith.index_cast %add3A_245 : i32 to index
      %get3A_264 = tpu.vector_load %arg5[%get3A_262, %get3A_263] {strides = array<i32>} : memref<32x512xf32, #tpu.memory_space<vmem>>, vector<16xf32>,
      %get3A_265 = arith.constant 5 : i32
      %get3A_266 = arith.index_cast %get3A_265 : i32 to index
      %get3A_267 = arith.index_cast %add3A_245 : i32 to index
      %get3A_268 = tpu.vector_load %arg5[%get3A_266, %get3A_267] {strides = array<i32>} : memref<32x512xf32, #tpu.memory_space<vmem>>, vector<16xf32>,
      %get3A_269 = arith.constant 6 : i32
      %get3A_270 = arith.index_cast %get3A_269 : i32 to index
      %get3A_271 = arith.index_cast %add3A_245 : i32 to index
      %get3A_272 = tpu.vector_load %arg5[%get3A_270, %get3A_271] {strides = array<i32>} : memref<32x512xf32, #tpu.memory_space<vmem>>, vector<16xf32>,
      %get3A_273 = arith.constant 7 : i32
      %get3A_274 = arith.index_cast %get3A_273 : i32 to index
      %get3A_275 = arith.index_cast %add3A_245 : i32 to index
      %get3A_276 = tpu.vector_load %arg5[%get3A_274, %get3A_275] {strides = array<i32>} : memref<32x512xf32, #tpu.memory_space<vmem>>, vector<16xf32>,
      %get3A_277 = arith.constant 8 : i32
      %get3A_278 = arith.index_cast %get3A_277 : i32 to index
      %get3A_279 = arith.index_cast %add3A_245 : i32 to index
      %get3A_280 = tpu.vector_load %arg5[%get3A_278, %get3A_279] {strides = array<i32>} : memref<32x512xf32, #tpu.memory_space<vmem>>, vector<16xf32>,
      %get3A_281 = arith.constant 9 : i32
      %get3A_282 = arith.index_cast %get3A_281 : i32 to index
      %get3A_283 = arith.index_cast %add3A_245 : i32 to index
      %get3A_284 = tpu.vector_load %arg5[%get3A_282, %get3A_283] {strides = array<i32>} : memref<32x512xf32, #tpu.memory_space<vmem>>, vector<16xf32>,
      %get3A_285 = arith.constant 10 : i32
      %get3A_286 = arith.index_cast %get3A_285 : i32 to index
      %get3A_287 = arith.index_cast %add3A_245 : i32 to index
      %get3A_288 = tpu.vector_load %arg5[%get3A_286, %get3A_287] {strides = array<i32>} : memref<32x512xf32, #tpu.memory_space<vmem>>, vector<16xf32>,
      %get3A_289 = arith.constant 11 : i32
      %get3A_290 = arith.index_cast %get3A_289 : i32 to index
      %get3A_291 = arith.index_cast %add3A_245 : i32 to index
      %get3A_292 = tpu.vector_load %arg5[%get3A_290, %get3A_291] {strides = array<i32>} : memref<32x512xf32, #tpu.memory_space<vmem>>, vector<16xf32>,
      %get3A_293 = arith.constant 12 : i32
      %get3A_294 = arith.index_cast %get3A_293 : i32 to index
      %get3A_295 = arith.index_cast %add3A_245 : i32 to index
      %get3A_296 = tpu.vector_load %arg5[%get3A_294, %get3A_295] {strides = array<i32>} : memref<32x512xf32, #tpu.memory_space<vmem>>, vector<16xf32>,
      %get3A_297 = arith.constant 13 : i32
      %get3A_298 = arith.index_cast %get3A_297 : i32 to index
      %get3A_299 = arith.index_cast %add3A_245 : i32 to index
      %get3A_300 = tpu.vector_load %arg5[%get3A_298, %get3A_299] {strides = array<i32>} : memref<32x512xf32, #tpu.memory_space<vmem>>, vector<16xf32>,
      %get3A_301 = arith.constant 14 : i32
      %get3A_302 = arith.index_cast %get3A_301 : i32 to index
      %get3A_303 = arith.index_cast %add3A_245 : i32 to index
      %get3A_304 = tpu.vector_load %arg5[%get3A_302, %get3A_303] {strides = array<i32>} : memref<32x512xf32, #tpu.memory_space<vmem>>, vector<16xf32>,
      %get3A_305 = arith.constant 15 : i32
      %get3A_306 = arith.index_cast %get3A_305 : i32 to index
      %get3A_307 = arith.index_cast %add3A_245 : i32 to index
      %get3A_308 = tpu.vector_load %arg5[%get3A_306, %get3A_307] {strides = array<i32>} : memref<32x512xf32, #tpu.memory_space<vmem>>, vector<16xf32>,
      %add3A_309 = arith.addf %get3A_248, %get3A_252 : vector<16xf32>
      %add3A_310 = arith.addf %get3A_256, %get3A_260 : vector<16xf32>
      %add3A_311 = arith.addf %get3A_264, %get3A_268 : vector<16xf32>
      %add3A_312 = arith.addf %get3A_272, %get3A_276 : vector<16xf32>
      %add3A_313 = arith.addf %get3A_280, %get3A_284 : vector<16xf32>
      %add3A_314 = arith.addf %get3A_288, %get3A_292 : vector<16xf32>
      %add3A_315 = arith.addf %get3A_296, %get3A_300 : vector<16xf32>
      %add3A_316 = arith.addf %get3A_304, %get3A_308 : vector<16xf32>
      %add3A_317 = arith.addf %add3A_309, %add3A_310 : vector<16xf32>
      %add3A_318 = arith.addf %add3A_311, %add3A_312 : vector<16xf32>
      %add3A_319 = arith.addf %add3A_313, %add3A_314 : vector<16xf32>
      %add3A_320 = arith.addf %add3A_315, %add3A_316 : vector<16xf32>
      %add3A_321 = arith.addf %add3A_317, %add3A_318 : vector<16xf32>
      %add3A_322 = arith.addf %add3A_319, %add3A_320 : vector<16xf32>
      %add3A_323 = arith.addf %add3A_321, %add3A_322 : vector<16xf32>
      %mul3A_324 = arith.constant 6.250000e-02 : f32
      %mul3A_325 = vector.broadcast %mul3A_324 : f32 to vector<16xf32>
      %mul3A_326 = arith.mulf %add3A_323, %mul3A_325 : vector<16xf32>
      %swap3A = arith.index_cast %add3A_245 : i32 to index
      %swap3A_327 = tpu.vector_load %arg7[%swap3A] {strides = array<i32>} : memref<512xf32, #tpu.memory_space<vmem>>, vector<16xf32>,
      tpu.vector_store %arg7[%swap3A], %mul3A_326 {strides = array<i32>} : memref<512xf32, #tpu.memory_space<vmem>>, vector<16xf32>,
      %get3A_328 = arith.constant 16 : i32
      %get3A_329 = arith.index_cast %get3A_328 : i32 to index
      %get3A_330 = arith.index_cast %add3A_245 : i32 to index
      %get3A_331 = tpu.vector_load %arg5[%get3A_329, %get3A_330] {strides = array<i32>} : memref<32x512xf32, #tpu.memory_space<vmem>>, vector<16xf32>,
      %get3A_332 = arith.constant 17 : i32
      %get3A_333 = arith.index_cast %get3A_332 : i32 to index
      %get3A_334 = arith.index_cast %add3A_245 : i32 to index
      %get3A_335 = tpu.vector_load %arg5[%get3A_333, %get3A_334] {strides = array<i32>} : memref<32x512xf32, #tpu.memory_space<vmem>>, vector<16xf32>,
      %get3A_336 = arith.constant 18 : i32
      %get3A_337 = arith.index_cast %get3A_336 : i32 to index
      %get3A_338 = arith.index_cast %add3A_245 : i32 to index
      %get3A_339 = tpu.vector_load %arg5[%get3A_337, %get3A_338] {strides = array<i32>} : memref<32x512xf32, #tpu.memory_space<vmem>>, vector<16xf32>,
      %get3A_340 = arith.constant 19 : i32
      %get3A_341 = arith.index_cast %get3A_340 : i32 to index
      %get3A_342 = arith.index_cast %add3A_245 : i32 to index
      %get3A_343 = tpu.vector_load %arg5[%get3A_341, %get3A_342] {strides = array<i32>} : memref<32x512xf32, #tpu.memory_space<vmem>>, vector<16xf32>,
      %get3A_344 = arith.constant 20 : i32
      %get3A_345 = arith.index_cast %get3A_344 : i32 to index
      %get3A_346 = arith.index_cast %add3A_245 : i32 to index
      %get3A_347 = tpu.vector_load %arg5[%get3A_345, %get3A_346] {strides = array<i32>} : memref<32x512xf32, #tpu.memory_space<vmem>>, vector<16xf32>,
      %get3A_348 = arith.constant 21 : i32
      %get3A_349 = arith.index_cast %get3A_348 : i32 to index
      %get3A_350 = arith.index_cast %add3A_245 : i32 to index
      %get3A_351 = tpu.vector_load %arg5[%get3A_349, %get3A_350] {strides = array<i32>} : memref<32x512xf32, #tpu.memory_space<vmem>>, vector<16xf32>,
      %get3A_352 = arith.constant 22 : i32
      %get3A_353 = arith.index_cast %get3A_352 : i32 to index
      %get3A_354 = arith.index_cast %add3A_245 : i32 to index
      %get3A_355 = tpu.vector_load %arg5[%get3A_353, %get3A_354] {strides = array<i32>} : memref<32x512xf32, #tpu.memory_space<vmem>>, vector<16xf32>,
      %get3A_356 = arith.constant 23 : i32
      %get3A_357 = arith.index_cast %get3A_356 : i32 to index
      %get3A_358 = arith.index_cast %add3A_245 : i32 to index
      %get3A_359 = tpu.vector_load %arg5[%get3A_357, %get3A_358] {strides = array<i32>} : memref<32x512xf32, #tpu.memory_space<vmem>>, vector<16xf32>,
      %get3A_360 = arith.constant 24 : i32
      %get3A_361 = arith.index_cast %get3A_360 : i32 to index
      %get3A_362 = arith.index_cast %add3A_245 : i32 to index
      %get3A_363 = tpu.vector_load %arg5[%get3A_361, %get3A_362] {strides = array<i32>} : memref<32x512xf32, #tpu.memory_space<vmem>>, vector<16xf32>,
      %get3A_364 = arith.constant 25 : i32
      %get3A_365 = arith.index_cast %get3A_364 : i32 to index
      %get3A_366 = arith.index_cast %add3A_245 : i32 to index
      %get3A_367 = tpu.vector_load %arg5[%get3A_365, %get3A_366] {strides = array<i32>} : memref<32x512xf32, #tpu.memory_space<vmem>>, vector<16xf32>,
      %get3A_368 = arith.constant 26 : i32
      %get3A_369 = arith.index_cast %get3A_368 : i32 to index
      %get3A_370 = arith.index_cast %add3A_245 : i32 to index
      %get3A_371 = tpu.vector_load %arg5[%get3A_369, %get3A_370] {strides = array<i32>} : memref<32x512xf32, #tpu.memory_space<vmem>>, vector<16xf32>,
      %get3A_372 = arith.constant 27 : i32
      %get3A_373 = arith.index_cast %get3A_372 : i32 to index
      %get3A_374 = arith.index_cast %add3A_245 : i32 to index
      %get3A_375 = tpu.vector_load %arg5[%get3A_373, %get3A_374] {strides = array<i32>} : memref<32x512xf32, #tpu.memory_space<vmem>>, vector<16xf32>,
      %get3A_376 = arith.constant 28 : i32
      %get3A_377 = arith.index_cast %get3A_376 : i32 to index
      %get3A_378 = arith.index_cast %add3A_245 : i32 to index
      %get3A_379 = tpu.vector_load %arg5[%get3A_377, %get3A_378] {strides = array<i32>} : memref<32x512xf32, #tpu.memory_space<vmem>>, vector<16xf32>,
      %get3A_380 = arith.constant 29 : i32
      %get3A_381 = arith.index_cast %get3A_380 : i32 to index
      %get3A_382 = arith.index_cast %add3A_245 : i32 to index
      %get3A_383 = tpu.vector_load %arg5[%get3A_381, %get3A_382] {strides = array<i32>} : memref<32x512xf32, #tpu.memory_space<vmem>>, vector<16xf32>,
      %get3A_384 = arith.constant 30 : i32
      %get3A_385 = arith.index_cast %get3A_384 : i32 to index
      %get3A_386 = arith.index_cast %add3A_245 : i32 to index
      %get3A_387 = tpu.vector_load %arg5[%get3A_385, %get3A_386] {strides = array<i32>} : memref<32x512xf32, #tpu.memory_space<vmem>>, vector<16xf32>,
      %get3A_388 = arith.constant 31 : i32
      %get3A_389 = arith.index_cast %get3A_388 : i32 to index
      %get3A_390 = arith.index_cast %add3A_245 : i32 to index
      %get3A_391 = tpu.vector_load %arg5[%get3A_389, %get3A_390] {strides = array<i32>} : memref<32x512xf32, #tpu.memory_space<vmem>>, vector<16xf32>,
      %add3A_392 = arith.addf %get3A_331, %get3A_335 : vector<16xf32>
      %add3A_393 = arith.addf %get3A_339, %get3A_343 : vector<16xf32>
      %add3A_394 = arith.addf %get3A_347, %get3A_351 : vector<16xf32>
      %add3A_395 = arith.addf %get3A_355, %get3A_359 : vector<16xf32>
      %add3A_396 = arith.addf %get3A_363, %get3A_367 : vector<16xf32>
      %add3A_397 = arith.addf %get3A_371, %get3A_375 : vector<16xf32>
      %add3A_398 = arith.addf %get3A_379, %get3A_383 : vector<16xf32>
      %add3A_399 = arith.addf %get3A_387, %get3A_391 : vector<16xf32>
      %add3A_400 = arith.addf %add3A_392, %add3A_393 : vector<16xf32>
      %add3A_401 = arith.addf %add3A_394, %add3A_395 : vector<16xf32>
      %add3A_402 = arith.addf %add3A_396, %add3A_397 : vector<16xf32>
      %add3A_403 = arith.addf %add3A_398, %add3A_399 : vector<16xf32>
      %add3A_404 = arith.addf %add3A_400, %add3A_401 : vector<16xf32>
      %add3A_405 = arith.addf %add3A_402, %add3A_403 : vector<16xf32>
      %add3A_406 = arith.addf %add3A_404, %add3A_405 : vector<16xf32>
      %mul3A_407 = arith.constant 6.250000e-02 : f32
      %mul3A_408 = vector.broadcast %mul3A_407 : f32 to vector<16xf32>
      %mul3A_409 = arith.mulf %add3A_406, %mul3A_408 : vector<16xf32>
      %swap3A_410 = arith.index_cast %add3A_245 : i32 to index
      %swap3A_411 = tpu.vector_load %arg8[%swap3A_410] {strides = array<i32>} : memref<512xf32, #tpu.memory_space<vmem>>, vector<16xf32>,
      tpu.vector_store %arg8[%swap3A_410], %mul3A_409 {strides = array<i32>} : memref<512xf32, #tpu.memory_space<vmem>>, vector<16xf32>,
    }
    %scan3A_124 = arith.constant 8 : i32
    %dma_start3A_125 = arith.constant 2 : i32
    %dma_start3A_126 = arith.constant 256 : i32
    %dma_start3A_127 = tpu.memref_slice %arg7[%dma_start3A_126] : memref<512xf32, #tpu.memory_space<vmem>> -> memref<128xf32, #tpu.memory_space<vmem>>
    %dma_start3A_128 = arith.constant 0 : i32
    %dma_start3A_129 = tpu.memref_slice %arg6[%dma_start3A_125, %dma_start3A_128] : memref<4x128xi32, #tpu.memory_space<vmem>> -> memref<1x128xi32, #tpu.memory_space<vmem>>
    %dma_start3A_130 = tpu.memref_squeeze %dma_start3A_129 : memref<1x128xi32, #tpu.memory_space<vmem>> -> memref<128xi32, #tpu.memory_space<vmem>>
    %dma_start3A_131 = arith.constant 0 : i32
    %dma_start3A_132 = tpu.memref_slice %arg10[%dma_start3A_131] : memref<256xf32, #tpu.memory_space<vmem_shared>> -> memref<256xf32, #tpu.memory_space<vmem_shared>>
    tpu.enqueue_indirect_dma source(%dma_start3A_127 : memref<128xf32, #tpu.memory_space<vmem>>) target(%dma_start3A_132 : memref<256xf32, #tpu.memory_space<vmem_shared>>) offsets(%dma_start3A_130 : memref<128xi32, #tpu.memory_space<vmem>>) semaphore(%arg17 : memref<!tpu.dma_semaphore, #tpu.memory_space<semaphore_mem>>) {add = true}
    %dma_start3A_133 = arith.constant 2 : i32
    %dma_start3A_134 = arith.constant 256 : i32
    %dma_start3A_135 = tpu.memref_slice %arg8[%dma_start3A_134] : memref<512xf32, #tpu.memory_space<vmem>> -> memref<128xf32, #tpu.memory_space<vmem>>
    %dma_start3A_136 = arith.constant 0 : i32
    %dma_start3A_137 = tpu.memref_slice %arg6[%dma_start3A_133, %dma_start3A_136] : memref<4x128xi32, #tpu.memory_space<vmem>> -> memref<1x128xi32, #tpu.memory_space<vmem>>
    %dma_start3A_138 = tpu.memref_squeeze %dma_start3A_137 : memref<1x128xi32, #tpu.memory_space<vmem>> -> memref<128xi32, #tpu.memory_space<vmem>>
    %dma_start3A_139 = arith.constant 0 : i32
    %dma_start3A_140 = tpu.memref_slice %arg11[%dma_start3A_139] : memref<256xf32, #tpu.memory_space<vmem_shared>> -> memref<256xf32, #tpu.memory_space<vmem_shared>>
    tpu.enqueue_indirect_dma source(%dma_start3A_135 : memref<128xf32, #tpu.memory_space<vmem>>) target(%dma_start3A_140 : memref<256xf32, #tpu.memory_space<vmem_shared>>) offsets(%dma_start3A_138 : memref<128xi32, #tpu.memory_space<vmem>>) semaphore(%arg17 : memref<!tpu.dma_semaphore, #tpu.memory_space<semaphore_mem>>) {add = true}
    %dma_wait3A_141 = arith.constant 0 : i32
    %dma_wait3A_142 = arith.constant 384 : i32
    %dma_wait3A_143 = tpu.memref_slice %arg5[%dma_wait3A_141, %dma_wait3A_142] : memref<32x512xf32, #tpu.memory_space<vmem>> -> memref<32x128xf32, #tpu.memory_space<vmem>>
    %dma_wait3A_144 = tpu.memref_slice %arg2[%mul3A_2, %add3A_32] : memref<64x8192xf32, #tpu.memory_space<hbm>> -> memref<32x128xf32, #tpu.memory_space<hbm>>
    %dma_wait3A_145 = arith.constant 0 : i32
    %dma_wait3A_146 = arith.constant 384 : i32
    %dma_wait3A_147 = tpu.memref_slice %arg5[%dma_wait3A_145, %dma_wait3A_146] : memref<32x512xf32, #tpu.memory_space<vmem>> -> memref<32x128xf32, #tpu.memory_space<vmem>>
    %dma_wait3A_148 = tpu.memref_slice %arg2[%mul3A_2, %add3A_32] : memref<64x8192xf32, #tpu.memory_space<hbm>> -> memref<32x128xf32, #tpu.memory_space<hbm>>
    tpu.wait_dma2 semaphore(%arg15 : memref<!tpu.dma_semaphore, #tpu.memory_space<semaphore_mem>>) src(%dma_wait3A_148 : memref<32x128xf32, #tpu.memory_space<hbm>>) dst(%dma_wait3A_147 : memref<32x128xf32, #tpu.memory_space<vmem>>)
    %scan3A_149 = arith.constant 0 : i32
    %scan3A_150 = arith.constant 0 : i32
    %scan3A_151 = arith.constant 8 : i32
    %scan3A_152 = arith.addi %scan3A_150, %scan3A_151 : i32
    %scan3A_153 = arith.constant 1 : i32
    scf.for %scan3A_241 = %scan3A_150 to %scan3A_152 step %scan3A_153  : i32 {
      %mul3A_242 = arith.constant 16 : i32
      %mul3A_243 = arith.muli %scan3A_241, %mul3A_242 : i32
      %add3A_244 = arith.constant 384 : i32
      %add3A_245 = arith.addi %add3A_244, %mul3A_243 : i32
      %get3A = arith.constant 0 : i32
      %get3A_246 = arith.index_cast %get3A : i32 to index
      %get3A_247 = arith.index_cast %add3A_245 : i32 to index
      %get3A_248 = tpu.vector_load %arg5[%get3A_246, %get3A_247] {strides = array<i32>} : memref<32x512xf32, #tpu.memory_space<vmem>>, vector<16xf32>,
      %get3A_249 = arith.constant 1 : i32
      %get3A_250 = arith.index_cast %get3A_249 : i32 to index
      %get3A_251 = arith.index_cast %add3A_245 : i32 to index
      %get3A_252 = tpu.vector_load %arg5[%get3A_250, %get3A_251] {strides = array<i32>} : memref<32x512xf32, #tpu.memory_space<vmem>>, vector<16xf32>,
      %get3A_253 = arith.constant 2 : i32
      %get3A_254 = arith.index_cast %get3A_253 : i32 to index
      %get3A_255 = arith.index_cast %add3A_245 : i32 to index
      %get3A_256 = tpu.vector_load %arg5[%get3A_254, %get3A_255] {strides = array<i32>} : memref<32x512xf32, #tpu.memory_space<vmem>>, vector<16xf32>,
      %get3A_257 = arith.constant 3 : i32
      %get3A_258 = arith.index_cast %get3A_257 : i32 to index
      %get3A_259 = arith.index_cast %add3A_245 : i32 to index
      %get3A_260 = tpu.vector_load %arg5[%get3A_258, %get3A_259] {strides = array<i32>} : memref<32x512xf32, #tpu.memory_space<vmem>>, vector<16xf32>,
      %get3A_261 = arith.constant 4 : i32
      %get3A_262 = arith.index_cast %get3A_261 : i32 to index
      %get3A_263 = arith.index_cast %add3A_245 : i32 to index
      %get3A_264 = tpu.vector_load %arg5[%get3A_262, %get3A_263] {strides = array<i32>} : memref<32x512xf32, #tpu.memory_space<vmem>>, vector<16xf32>,
      %get3A_265 = arith.constant 5 : i32
      %get3A_266 = arith.index_cast %get3A_265 : i32 to index
      %get3A_267 = arith.index_cast %add3A_245 : i32 to index
      %get3A_268 = tpu.vector_load %arg5[%get3A_266, %get3A_267] {strides = array<i32>} : memref<32x512xf32, #tpu.memory_space<vmem>>, vector<16xf32>,
      %get3A_269 = arith.constant 6 : i32
      %get3A_270 = arith.index_cast %get3A_269 : i32 to index
      %get3A_271 = arith.index_cast %add3A_245 : i32 to index
      %get3A_272 = tpu.vector_load %arg5[%get3A_270, %get3A_271] {strides = array<i32>} : memref<32x512xf32, #tpu.memory_space<vmem>>, vector<16xf32>,
      %get3A_273 = arith.constant 7 : i32
      %get3A_274 = arith.index_cast %get3A_273 : i32 to index
      %get3A_275 = arith.index_cast %add3A_245 : i32 to index
      %get3A_276 = tpu.vector_load %arg5[%get3A_274, %get3A_275] {strides = array<i32>} : memref<32x512xf32, #tpu.memory_space<vmem>>, vector<16xf32>,
      %get3A_277 = arith.constant 8 : i32
      %get3A_278 = arith.index_cast %get3A_277 : i32 to index
      %get3A_279 = arith.index_cast %add3A_245 : i32 to index
      %get3A_280 = tpu.vector_load %arg5[%get3A_278, %get3A_279] {strides = array<i32>} : memref<32x512xf32, #tpu.memory_space<vmem>>, vector<16xf32>,
      %get3A_281 = arith.constant 9 : i32
      %get3A_282 = arith.index_cast %get3A_281 : i32 to index
      %get3A_283 = arith.index_cast %add3A_245 : i32 to index
      %get3A_284 = tpu.vector_load %arg5[%get3A_282, %get3A_283] {strides = array<i32>} : memref<32x512xf32, #tpu.memory_space<vmem>>, vector<16xf32>,
      %get3A_285 = arith.constant 10 : i32
      %get3A_286 = arith.index_cast %get3A_285 : i32 to index
      %get3A_287 = arith.index_cast %add3A_245 : i32 to index
      %get3A_288 = tpu.vector_load %arg5[%get3A_286, %get3A_287] {strides = array<i32>} : memref<32x512xf32, #tpu.memory_space<vmem>>, vector<16xf32>,
      %get3A_289 = arith.constant 11 : i32
      %get3A_290 = arith.index_cast %get3A_289 : i32 to index
      %get3A_291 = arith.index_cast %add3A_245 : i32 to index
      %get3A_292 = tpu.vector_load %arg5[%get3A_290, %get3A_291] {strides = array<i32>} : memref<32x512xf32, #tpu.memory_space<vmem>>, vector<16xf32>,
      %get3A_293 = arith.constant 12 : i32
      %get3A_294 = arith.index_cast %get3A_293 : i32 to index
      %get3A_295 = arith.index_cast %add3A_245 : i32 to index
      %get3A_296 = tpu.vector_load %arg5[%get3A_294, %get3A_295] {strides = array<i32>} : memref<32x512xf32, #tpu.memory_space<vmem>>, vector<16xf32>,
      %get3A_297 = arith.constant 13 : i32
      %get3A_298 = arith.index_cast %get3A_297 : i32 to index
      %get3A_299 = arith.index_cast %add3A_245 : i32 to index
      %get3A_300 = tpu.vector_load %arg5[%get3A_298, %get3A_299] {strides = array<i32>} : memref<32x512xf32, #tpu.memory_space<vmem>>, vector<16xf32>,
      %get3A_301 = arith.constant 14 : i32
      %get3A_302 = arith.index_cast %get3A_301 : i32 to index
      %get3A_303 = arith.index_cast %add3A_245 : i32 to index
      %get3A_304 = tpu.vector_load %arg5[%get3A_302, %get3A_303] {strides = array<i32>} : memref<32x512xf32, #tpu.memory_space<vmem>>, vector<16xf32>,
      %get3A_305 = arith.constant 15 : i32
      %get3A_306 = arith.index_cast %get3A_305 : i32 to index
      %get3A_307 = arith.index_cast %add3A_245 : i32 to index
      %get3A_308 = tpu.vector_load %arg5[%get3A_306, %get3A_307] {strides = array<i32>} : memref<32x512xf32, #tpu.memory_space<vmem>>, vector<16xf32>,
      %add3A_309 = arith.addf %get3A_248, %get3A_252 : vector<16xf32>
      %add3A_310 = arith.addf %get3A_256, %get3A_260 : vector<16xf32>
      %add3A_311 = arith.addf %get3A_264, %get3A_268 : vector<16xf32>
      %add3A_312 = arith.addf %get3A_272, %get3A_276 : vector<16xf32>
      %add3A_313 = arith.addf %get3A_280, %get3A_284 : vector<16xf32>
      %add3A_314 = arith.addf %get3A_288, %get3A_292 : vector<16xf32>
      %add3A_315 = arith.addf %get3A_296, %get3A_300 : vector<16xf32>
      %add3A_316 = arith.addf %get3A_304, %get3A_308 : vector<16xf32>
      %add3A_317 = arith.addf %add3A_309, %add3A_310 : vector<16xf32>
      %add3A_318 = arith.addf %add3A_311, %add3A_312 : vector<16xf32>
      %add3A_319 = arith.addf %add3A_313, %add3A_314 : vector<16xf32>
      %add3A_320 = arith.addf %add3A_315, %add3A_316 : vector<16xf32>
      %add3A_321 = arith.addf %add3A_317, %add3A_318 : vector<16xf32>
      %add3A_322 = arith.addf %add3A_319, %add3A_320 : vector<16xf32>
      %add3A_323 = arith.addf %add3A_321, %add3A_322 : vector<16xf32>
      %mul3A_324 = arith.constant 6.250000e-02 : f32
      %mul3A_325 = vector.broadcast %mul3A_324 : f32 to vector<16xf32>
      %mul3A_326 = arith.mulf %add3A_323, %mul3A_325 : vector<16xf32>
      %swap3A = arith.index_cast %add3A_245 : i32 to index
      %swap3A_327 = tpu.vector_load %arg7[%swap3A] {strides = array<i32>} : memref<512xf32, #tpu.memory_space<vmem>>, vector<16xf32>,
      tpu.vector_store %arg7[%swap3A], %mul3A_326 {strides = array<i32>} : memref<512xf32, #tpu.memory_space<vmem>>, vector<16xf32>,
      %get3A_328 = arith.constant 16 : i32
      %get3A_329 = arith.index_cast %get3A_328 : i32 to index
      %get3A_330 = arith.index_cast %add3A_245 : i32 to index
      %get3A_331 = tpu.vector_load %arg5[%get3A_329, %get3A_330] {strides = array<i32>} : memref<32x512xf32, #tpu.memory_space<vmem>>, vector<16xf32>,
      %get3A_332 = arith.constant 17 : i32
      %get3A_333 = arith.index_cast %get3A_332 : i32 to index
      %get3A_334 = arith.index_cast %add3A_245 : i32 to index
      %get3A_335 = tpu.vector_load %arg5[%get3A_333, %get3A_334] {strides = array<i32>} : memref<32x512xf32, #tpu.memory_space<vmem>>, vector<16xf32>,
      %get3A_336 = arith.constant 18 : i32
      %get3A_337 = arith.index_cast %get3A_336 : i32 to index
      %get3A_338 = arith.index_cast %add3A_245 : i32 to index
      %get3A_339 = tpu.vector_load %arg5[%get3A_337, %get3A_338] {strides = array<i32>} : memref<32x512xf32, #tpu.memory_space<vmem>>, vector<16xf32>,
      %get3A_340 = arith.constant 19 : i32
      %get3A_341 = arith.index_cast %get3A_340 : i32 to index
      %get3A_342 = arith.index_cast %add3A_245 : i32 to index
      %get3A_343 = tpu.vector_load %arg5[%get3A_341, %get3A_342] {strides = array<i32>} : memref<32x512xf32, #tpu.memory_space<vmem>>, vector<16xf32>,
      %get3A_344 = arith.constant 20 : i32
      %get3A_345 = arith.index_cast %get3A_344 : i32 to index
      %get3A_346 = arith.index_cast %add3A_245 : i32 to index
      %get3A_347 = tpu.vector_load %arg5[%get3A_345, %get3A_346] {strides = array<i32>} : memref<32x512xf32, #tpu.memory_space<vmem>>, vector<16xf32>,
      %get3A_348 = arith.constant 21 : i32
      %get3A_349 = arith.index_cast %get3A_348 : i32 to index
      %get3A_350 = arith.index_cast %add3A_245 : i32 to index
      %get3A_351 = tpu.vector_load %arg5[%get3A_349, %get3A_350] {strides = array<i32>} : memref<32x512xf32, #tpu.memory_space<vmem>>, vector<16xf32>,
      %get3A_352 = arith.constant 22 : i32
      %get3A_353 = arith.index_cast %get3A_352 : i32 to index
      %get3A_354 = arith.index_cast %add3A_245 : i32 to index
      %get3A_355 = tpu.vector_load %arg5[%get3A_353, %get3A_354] {strides = array<i32>} : memref<32x512xf32, #tpu.memory_space<vmem>>, vector<16xf32>,
      %get3A_356 = arith.constant 23 : i32
      %get3A_357 = arith.index_cast %get3A_356 : i32 to index
      %get3A_358 = arith.index_cast %add3A_245 : i32 to index
      %get3A_359 = tpu.vector_load %arg5[%get3A_357, %get3A_358] {strides = array<i32>} : memref<32x512xf32, #tpu.memory_space<vmem>>, vector<16xf32>,
      %get3A_360 = arith.constant 24 : i32
      %get3A_361 = arith.index_cast %get3A_360 : i32 to index
      %get3A_362 = arith.index_cast %add3A_245 : i32 to index
      %get3A_363 = tpu.vector_load %arg5[%get3A_361, %get3A_362] {strides = array<i32>} : memref<32x512xf32, #tpu.memory_space<vmem>>, vector<16xf32>,
      %get3A_364 = arith.constant 25 : i32
      %get3A_365 = arith.index_cast %get3A_364 : i32 to index
      %get3A_366 = arith.index_cast %add3A_245 : i32 to index
      %get3A_367 = tpu.vector_load %arg5[%get3A_365, %get3A_366] {strides = array<i32>} : memref<32x512xf32, #tpu.memory_space<vmem>>, vector<16xf32>,
      %get3A_368 = arith.constant 26 : i32
      %get3A_369 = arith.index_cast %get3A_368 : i32 to index
      %get3A_370 = arith.index_cast %add3A_245 : i32 to index
      %get3A_371 = tpu.vector_load %arg5[%get3A_369, %get3A_370] {strides = array<i32>} : memref<32x512xf32, #tpu.memory_space<vmem>>, vector<16xf32>,
      %get3A_372 = arith.constant 27 : i32
      %get3A_373 = arith.index_cast %get3A_372 : i32 to index
      %get3A_374 = arith.index_cast %add3A_245 : i32 to index
      %get3A_375 = tpu.vector_load %arg5[%get3A_373, %get3A_374] {strides = array<i32>} : memref<32x512xf32, #tpu.memory_space<vmem>>, vector<16xf32>,
      %get3A_376 = arith.constant 28 : i32
      %get3A_377 = arith.index_cast %get3A_376 : i32 to index
      %get3A_378 = arith.index_cast %add3A_245 : i32 to index
      %get3A_379 = tpu.vector_load %arg5[%get3A_377, %get3A_378] {strides = array<i32>} : memref<32x512xf32, #tpu.memory_space<vmem>>, vector<16xf32>,
      %get3A_380 = arith.constant 29 : i32
      %get3A_381 = arith.index_cast %get3A_380 : i32 to index
      %get3A_382 = arith.index_cast %add3A_245 : i32 to index
      %get3A_383 = tpu.vector_load %arg5[%get3A_381, %get3A_382] {strides = array<i32>} : memref<32x512xf32, #tpu.memory_space<vmem>>, vector<16xf32>,
      %get3A_384 = arith.constant 30 : i32
      %get3A_385 = arith.index_cast %get3A_384 : i32 to index
      %get3A_386 = arith.index_cast %add3A_245 : i32 to index
      %get3A_387 = tpu.vector_load %arg5[%get3A_385, %get3A_386] {strides = array<i32>} : memref<32x512xf32, #tpu.memory_space<vmem>>, vector<16xf32>,
      %get3A_388 = arith.constant 31 : i32
      %get3A_389 = arith.index_cast %get3A_388 : i32 to index
      %get3A_390 = arith.index_cast %add3A_245 : i32 to index
      %get3A_391 = tpu.vector_load %arg5[%get3A_389, %get3A_390] {strides = array<i32>} : memref<32x512xf32, #tpu.memory_space<vmem>>, vector<16xf32>,
      %add3A_392 = arith.addf %get3A_331, %get3A_335 : vector<16xf32>
      %add3A_393 = arith.addf %get3A_339, %get3A_343 : vector<16xf32>
      %add3A_394 = arith.addf %get3A_347, %get3A_351 : vector<16xf32>
      %add3A_395 = arith.addf %get3A_355, %get3A_359 : vector<16xf32>
      %add3A_396 = arith.addf %get3A_363, %get3A_367 : vector<16xf32>
      %add3A_397 = arith.addf %get3A_371, %get3A_375 : vector<16xf32>
      %add3A_398 = arith.addf %get3A_379, %get3A_383 : vector<16xf32>
      %add3A_399 = arith.addf %get3A_387, %get3A_391 : vector<16xf32>
      %add3A_400 = arith.addf %add3A_392, %add3A_393 : vector<16xf32>
      %add3A_401 = arith.addf %add3A_394, %add3A_395 : vector<16xf32>
      %add3A_402 = arith.addf %add3A_396, %add3A_397 : vector<16xf32>
      %add3A_403 = arith.addf %add3A_398, %add3A_399 : vector<16xf32>
      %add3A_404 = arith.addf %add3A_400, %add3A_401 : vector<16xf32>
      %add3A_405 = arith.addf %add3A_402, %add3A_403 : vector<16xf32>
      %add3A_406 = arith.addf %add3A_404, %add3A_405 : vector<16xf32>
      %mul3A_407 = arith.constant 6.250000e-02 : f32
      %mul3A_408 = vector.broadcast %mul3A_407 : f32 to vector<16xf32>
      %mul3A_409 = arith.mulf %add3A_406, %mul3A_408 : vector<16xf32>
      %swap3A_410 = arith.index_cast %add3A_245 : i32 to index
      %swap3A_411 = tpu.vector_load %arg8[%swap3A_410] {strides = array<i32>} : memref<512xf32, #tpu.memory_space<vmem>>, vector<16xf32>,
      tpu.vector_store %arg8[%swap3A_410], %mul3A_409 {strides = array<i32>} : memref<512xf32, #tpu.memory_space<vmem>>, vector<16xf32>,
    }
    %scan3A_154 = arith.constant 8 : i32
    %dma_start3A_155 = arith.constant 3 : i32
    %dma_start3A_156 = arith.constant 384 : i32
    %dma_start3A_157 = tpu.memref_slice %arg7[%dma_start3A_156] : memref<512xf32, #tpu.memory_space<vmem>> -> memref<128xf32, #tpu.memory_space<vmem>>
    %dma_start3A_158 = arith.constant 0 : i32
    %dma_start3A_159 = tpu.memref_slice %arg6[%dma_start3A_155, %dma_start3A_158] : memref<4x128xi32, #tpu.memory_space<vmem>> -> memref<1x128xi32, #tpu.memory_space<vmem>>
    %dma_start3A_160 = tpu.memref_squeeze %dma_start3A_159 : memref<1x128xi32, #tpu.memory_space<vmem>> -> memref<128xi32, #tpu.memory_space<vmem>>
    %dma_start3A_161 = arith.constant 0 : i32
    %dma_start3A_162 = tpu.memref_slice %arg10[%dma_start3A_161] : memref<256xf32, #tpu.memory_space<vmem_shared>> -> memref<256xf32, #tpu.memory_space<vmem_shared>>
    tpu.enqueue_indirect_dma source(%dma_start3A_157 : memref<128xf32, #tpu.memory_space<vmem>>) target(%dma_start3A_162 : memref<256xf32, #tpu.memory_space<vmem_shared>>) offsets(%dma_start3A_160 : memref<128xi32, #tpu.memory_space<vmem>>) semaphore(%arg17 : memref<!tpu.dma_semaphore, #tpu.memory_space<semaphore_mem>>) {add = true}
    %dma_start3A_163 = arith.constant 3 : i32
    %dma_start3A_164 = arith.constant 384 : i32
    %dma_start3A_165 = tpu.memref_slice %arg8[%dma_start3A_164] : memref<512xf32, #tpu.memory_space<vmem>> -> memref<128xf32, #tpu.memory_space<vmem>>
    %dma_start3A_166 = arith.constant 0 : i32
    %dma_start3A_167 = tpu.memref_slice %arg6[%dma_start3A_163, %dma_start3A_166] : memref<4x128xi32, #tpu.memory_space<vmem>> -> memref<1x128xi32, #tpu.memory_space<vmem>>
    %dma_start3A_168 = tpu.memref_squeeze %dma_start3A_167 : memref<1x128xi32, #tpu.memory_space<vmem>> -> memref<128xi32, #tpu.memory_space<vmem>>
    %dma_start3A_169 = arith.constant 0 : i32
    %dma_start3A_170 = tpu.memref_slice %arg11[%dma_start3A_169] : memref<256xf32, #tpu.memory_space<vmem_shared>> -> memref<256xf32, #tpu.memory_space<vmem_shared>>
    tpu.enqueue_indirect_dma source(%dma_start3A_165 : memref<128xf32, #tpu.memory_space<vmem>>) target(%dma_start3A_170 : memref<256xf32, #tpu.memory_space<vmem_shared>>) offsets(%dma_start3A_168 : memref<128xi32, #tpu.memory_space<vmem>>) semaphore(%arg17 : memref<!tpu.dma_semaphore, #tpu.memory_space<semaphore_mem>>) {add = true}
    %dma_wait3A_171 = arith.constant 0 : i32
    %dma_wait3A_172 = arith.constant 0 : i32
    %dma_wait3A_173 = tpu.memref_slice %arg7[%dma_wait3A_172] : memref<512xf32, #tpu.memory_space<vmem>> -> memref<128xf32, #tpu.memory_space<vmem>>
    %dma_wait3A_174 = arith.constant 0 : i32
    %dma_wait3A_175 = tpu.memref_slice %arg6[%dma_wait3A_171, %dma_wait3A_174] : memref<4x128xi32, #tpu.memory_space<vmem>> -> memref<1x128xi32, #tpu.memory_space<vmem>>
    %dma_wait3A_176 = tpu.memref_squeeze %dma_wait3A_175 : memref<1x128xi32, #tpu.memory_space<vmem>> -> memref<128xi32, #tpu.memory_space<vmem>>
    %dma_wait3A_177 = arith.constant 0 : i32
    %dma_wait3A_178 = tpu.memref_slice %arg10[%dma_wait3A_177] : memref<256xf32, #tpu.memory_space<vmem_shared>> -> memref<256xf32, #tpu.memory_space<vmem_shared>>
    tpu.wait_indirect_dma semaphore(%arg17 : memref<!tpu.dma_semaphore, #tpu.memory_space<semaphore_mem>>) src(%dma_wait3A_173 : memref<128xf32, #tpu.memory_space<vmem>>) dst(%dma_wait3A_178 : memref<256xf32, #tpu.memory_space<vmem_shared>>)
    %dma_wait3A_179 = arith.constant 0 : i32
    %dma_wait3A_180 = arith.constant 0 : i32
    %dma_wait3A_181 = tpu.memref_slice %arg8[%dma_wait3A_180] : memref<512xf32, #tpu.memory_space<vmem>> -> memref<128xf32, #tpu.memory_space<vmem>>
    %dma_wait3A_182 = arith.constant 0 : i32
    %dma_wait3A_183 = tpu.memref_slice %arg6[%dma_wait3A_179, %dma_wait3A_182] : memref<4x128xi32, #tpu.memory_space<vmem>> -> memref<1x128xi32, #tpu.memory_space<vmem>>
    %dma_wait3A_184 = tpu.memref_squeeze %dma_wait3A_183 : memref<1x128xi32, #tpu.memory_space<vmem>> -> memref<128xi32, #tpu.memory_space<vmem>>
    %dma_wait3A_185 = arith.constant 0 : i32
    %dma_wait3A_186 = tpu.memref_slice %arg11[%dma_wait3A_185] : memref<256xf32, #tpu.memory_space<vmem_shared>> -> memref<256xf32, #tpu.memory_space<vmem_shared>>
    tpu.wait_indirect_dma semaphore(%arg17 : memref<!tpu.dma_semaphore, #tpu.memory_space<semaphore_mem>>) src(%dma_wait3A_181 : memref<128xf32, #tpu.memory_space<vmem>>) dst(%dma_wait3A_186 : memref<256xf32, #tpu.memory_space<vmem_shared>>)
    %dma_wait3A_187 = arith.constant 1 : i32
    %dma_wait3A_188 = arith.constant 128 : i32
    %dma_wait3A_189 = tpu.memref_slice %arg7[%dma_wait3A_188] : memref<512xf32, #tpu.memory_space<vmem>> -> memref<128xf32, #tpu.memory_space<vmem>>
    %dma_wait3A_190 = arith.constant 0 : i32
    %dma_wait3A_191 = tpu.memref_slice %arg6[%dma_wait3A_187, %dma_wait3A_190] : memref<4x128xi32, #tpu.memory_space<vmem>> -> memref<1x128xi32, #tpu.memory_space<vmem>>
    %dma_wait3A_192 = tpu.memref_squeeze %dma_wait3A_191 : memref<1x128xi32, #tpu.memory_space<vmem>> -> memref<128xi32, #tpu.memory_space<vmem>>
    %dma_wait3A_193 = arith.constant 0 : i32
    %dma_wait3A_194 = tpu.memref_slice %arg10[%dma_wait3A_193] : memref<256xf32, #tpu.memory_space<vmem_shared>> -> memref<256xf32, #tpu.memory_space<vmem_shared>>
    tpu.wait_indirect_dma semaphore(%arg17 : memref<!tpu.dma_semaphore, #tpu.memory_space<semaphore_mem>>) src(%dma_wait3A_189 : memref<128xf32, #tpu.memory_space<vmem>>) dst(%dma_wait3A_194 : memref<256xf32, #tpu.memory_space<vmem_shared>>)
    %dma_wait3A_195 = arith.constant 1 : i32
    %dma_wait3A_196 = arith.constant 128 : i32
    %dma_wait3A_197 = tpu.memref_slice %arg8[%dma_wait3A_196] : memref<512xf32, #tpu.memory_space<vmem>> -> memref<128xf32, #tpu.memory_space<vmem>>
    %dma_wait3A_198 = arith.constant 0 : i32
    %dma_wait3A_199 = tpu.memref_slice %arg6[%dma_wait3A_195, %dma_wait3A_198] : memref<4x128xi32, #tpu.memory_space<vmem>> -> memref<1x128xi32, #tpu.memory_space<vmem>>
    %dma_wait3A_200 = tpu.memref_squeeze %dma_wait3A_199 : memref<1x128xi32, #tpu.memory_space<vmem>> -> memref<128xi32, #tpu.memory_space<vmem>>
    %dma_wait3A_201 = arith.constant 0 : i32
    %dma_wait3A_202 = tpu.memref_slice %arg11[%dma_wait3A_201] : memref<256xf32, #tpu.memory_space<vmem_shared>> -> memref<256xf32, #tpu.memory_space<vmem_shared>>
    tpu.wait_indirect_dma semaphore(%arg17 : memref<!tpu.dma_semaphore, #tpu.memory_space<semaphore_mem>>) src(%dma_wait3A_197 : memref<128xf32, #tpu.memory_space<vmem>>) dst(%dma_wait3A_202 : memref<256xf32, #tpu.memory_space<vmem_shared>>)
    %dma_wait3A_203 = arith.constant 2 : i32
    %dma_wait3A_204 = arith.constant 256 : i32
    %dma_wait3A_205 = tpu.memref_slice %arg7[%dma_wait3A_204] : memref<512xf32, #tpu.memory_space<vmem>> -> memref<128xf32, #tpu.memory_space<vmem>>
    %dma_wait3A_206 = arith.constant 0 : i32
    %dma_wait3A_207 = tpu.memref_slice %arg6[%dma_wait3A_203, %dma_wait3A_206] : memref<4x128xi32, #tpu.memory_space<vmem>> -> memref<1x128xi32, #tpu.memory_space<vmem>>
    %dma_wait3A_208 = tpu.memref_squeeze %dma_wait3A_207 : memref<1x128xi32, #tpu.memory_space<vmem>> -> memref<128xi32, #tpu.memory_space<vmem>>
    %dma_wait3A_209 = arith.constant 0 : i32
    %dma_wait3A_210 = tpu.memref_slice %arg10[%dma_wait3A_209] : memref<256xf32, #tpu.memory_space<vmem_shared>> -> memref<256xf32, #tpu.memory_space<vmem_shared>>
    tpu.wait_indirect_dma semaphore(%arg17 : memref<!tpu.dma_semaphore, #tpu.memory_space<semaphore_mem>>) src(%dma_wait3A_205 : memref<128xf32, #tpu.memory_space<vmem>>) dst(%dma_wait3A_210 : memref<256xf32, #tpu.memory_space<vmem_shared>>)
    %dma_wait3A_211 = arith.constant 2 : i32
    %dma_wait3A_212 = arith.constant 256 : i32
    %dma_wait3A_213 = tpu.memref_slice %arg8[%dma_wait3A_212] : memref<512xf32, #tpu.memory_space<vmem>> -> memref<128xf32, #tpu.memory_space<vmem>>
    %dma_wait3A_214 = arith.constant 0 : i32
    %dma_wait3A_215 = tpu.memref_slice %arg6[%dma_wait3A_211, %dma_wait3A_214] : memref<4x128xi32, #tpu.memory_space<vmem>> -> memref<1x128xi32, #tpu.memory_space<vmem>>
    %dma_wait3A_216 = tpu.memref_squeeze %dma_wait3A_215 : memref<1x128xi32, #tpu.memory_space<vmem>> -> memref<128xi32, #tpu.memory_space<vmem>>
    %dma_wait3A_217 = arith.constant 0 : i32
    %dma_wait3A_218 = tpu.memref_slice %arg11[%dma_wait3A_217] : memref<256xf32, #tpu.memory_space<vmem_shared>> -> memref<256xf32, #tpu.memory_space<vmem_shared>>
    tpu.wait_indirect_dma semaphore(%arg17 : memref<!tpu.dma_semaphore, #tpu.memory_space<semaphore_mem>>) src(%dma_wait3A_213 : memref<128xf32, #tpu.memory_space<vmem>>) dst(%dma_wait3A_218 : memref<256xf32, #tpu.memory_space<vmem_shared>>)
    %dma_wait3A_219 = arith.constant 3 : i32
    %dma_wait3A_220 = arith.constant 384 : i32
    %dma_wait3A_221 = tpu.memref_slice %arg7[%dma_wait3A_220] : memref<512xf32, #tpu.memory_space<vmem>> -> memref<128xf32, #tpu.memory_space<vmem>>
    %dma_wait3A_222 = arith.constant 0 : i32
    %dma_wait3A_223 = tpu.memref_slice %arg6[%dma_wait3A_219, %dma_wait3A_222] : memref<4x128xi32, #tpu.memory_space<vmem>> -> memref<1x128xi32, #tpu.memory_space<vmem>>
    %dma_wait3A_224 = tpu.memref_squeeze %dma_wait3A_223 : memref<1x128xi32, #tpu.memory_space<vmem>> -> memref<128xi32, #tpu.memory_space<vmem>>
    %dma_wait3A_225 = arith.constant 0 : i32
    %dma_wait3A_226 = tpu.memref_slice %arg10[%dma_wait3A_225] : memref<256xf32, #tpu.memory_space<vmem_shared>> -> memref<256xf32, #tpu.memory_space<vmem_shared>>
    tpu.wait_indirect_dma semaphore(%arg17 : memref<!tpu.dma_semaphore, #tpu.memory_space<semaphore_mem>>) src(%dma_wait3A_221 : memref<128xf32, #tpu.memory_space<vmem>>) dst(%dma_wait3A_226 : memref<256xf32, #tpu.memory_space<vmem_shared>>)
    %dma_wait3A_227 = arith.constant 3 : i32
    %dma_wait3A_228 = arith.constant 384 : i32
    %dma_wait3A_229 = tpu.memref_slice %arg8[%dma_wait3A_228] : memref<512xf32, #tpu.memory_space<vmem>> -> memref<128xf32, #tpu.memory_space<vmem>>
    %dma_wait3A_230 = arith.constant 0 : i32
    %dma_wait3A_231 = tpu.memref_slice %arg6[%dma_wait3A_227, %dma_wait3A_230] : memref<4x128xi32, #tpu.memory_space<vmem>> -> memref<1x128xi32, #tpu.memory_space<vmem>>
    %dma_wait3A_232 = tpu.memref_squeeze %dma_wait3A_231 : memref<1x128xi32, #tpu.memory_space<vmem>> -> memref<128xi32, #tpu.memory_space<vmem>>
    %dma_wait3A_233 = arith.constant 0 : i32
    %dma_wait3A_234 = tpu.memref_slice %arg11[%dma_wait3A_233] : memref<256xf32, #tpu.memory_space<vmem_shared>> -> memref<256xf32, #tpu.memory_space<vmem_shared>>
    tpu.wait_indirect_dma semaphore(%arg17 : memref<!tpu.dma_semaphore, #tpu.memory_space<semaphore_mem>>) src(%dma_wait3A_229 : memref<128xf32, #tpu.memory_space<vmem>>) dst(%dma_wait3A_234 : memref<256xf32, #tpu.memory_space<vmem_shared>>)
    %barrier3A_235 = arith.constant 0 : index
    tpu.barrier barrier_id(%barrier3A_235)
    %eq3A_236 = arith.constant 0 : i32
    %eq3A_237 = arith.cmpi eq, %arg1, %eq3A_236 : i32
    %convert_element_type3A_238 = arith.extui %eq3A_237 : i1 to i32
    %cond3A_239 = arith.constant 0 : i32
    %cond3A_240 = arith.cmpi ne, %convert_element_type3A_238, %cond3A_239 : i32
    scf.if %cond3A_240 {
      %mul3A_241 = arith.constant 2 : i32
      %mul3A_242 = arith.muli %arg0, %mul3A_241 : i32
      "tpu.region"() ({
        %run_scoped3A = tpu.sem_alloc : memref<!tpu.dma_semaphore, #tpu.memory_space<semaphore_mem>>
        %dma_start3A_247 = arith.constant 0 : i32
        %dma_start3A_248 = tpu.memref_slice %arg4[%mul3A_242, %dma_start3A_247] : memref<4x256xf32, #tpu.memory_space<hbm>> -> memref<1x256xf32, #tpu.memory_space<hbm>>
        %dma_start3A_249 = tpu.memref_squeeze %dma_start3A_248 : memref<1x256xf32, #tpu.memory_space<hbm>> -> memref<256xf32, #tpu.memory_space<hbm>>
        tpu.enqueue_dma source(%arg10 : memref<256xf32, #tpu.memory_space<vmem_shared>>) target(%dma_start3A_249 : memref<256xf32, #tpu.memory_space<hbm>>) target_semaphore(%run_scoped3A : memref<!tpu.dma_semaphore, #tpu.memory_space<semaphore_mem>>)
        %dma_wait3A_250 = arith.constant 0 : i32
        %dma_wait3A_251 = tpu.memref_slice %arg4[%mul3A_242, %dma_wait3A_250] : memref<4x256xf32, #tpu.memory_space<hbm>> -> memref<1x256xf32, #tpu.memory_space<hbm>>
        %dma_wait3A_252 = tpu.memref_squeeze %dma_wait3A_251 : memref<1x256xf32, #tpu.memory_space<hbm>> -> memref<256xf32, #tpu.memory_space<hbm>>
        tpu.wait_dma2 semaphore(%run_scoped3A : memref<!tpu.dma_semaphore, #tpu.memory_space<semaphore_mem>>) src(%arg10 : memref<256xf32, #tpu.memory_space<vmem_shared>>) dst(%dma_wait3A_252 : memref<256xf32, #tpu.memory_space<hbm>>)
        tpu.yield
      }) : () -> ()
      %mul3A_243 = arith.constant 2 : i32
      %mul3A_244 = arith.muli %arg0, %mul3A_243 : i32
      %add3A_245 = arith.constant 1 : i32
      %add3A_246 = arith.addi %mul3A_244, %add3A_245 : i32
      "tpu.region"() ({
        %run_scoped3A = tpu.sem_alloc : memref<!tpu.dma_semaphore, #tpu.memory_space<semaphore_mem>>
        %dma_start3A_247 = arith.constant 0 : i32
        %dma_start3A_248 = tpu.memref_slice %arg4[%add3A_246, %dma_start3A_247] : memref<4x256xf32, #tpu.memory_space<hbm>> -> memref<1x256xf32, #tpu.memory_space<hbm>>
        %dma_start3A_249 = tpu.memref_squeeze %dma_start3A_248 : memref<1x256xf32, #tpu.memory_space<hbm>> -> memref<256xf32, #tpu.memory_space<hbm>>
        tpu.enqueue_dma source(%arg11 : memref<256xf32, #tpu.memory_space<vmem_shared>>) target(%dma_start3A_249 : memref<256xf32, #tpu.memory_space<hbm>>) target_semaphore(%run_scoped3A : memref<!tpu.dma_semaphore, #tpu.memory_space<semaphore_mem>>)
        %dma_wait3A_250 = arith.constant 0 : i32
        %dma_wait3A_251 = tpu.memref_slice %arg4[%add3A_246, %dma_wait3A_250] : memref<4x256xf32, #tpu.memory_space<hbm>> -> memref<1x256xf32, #tpu.memory_space<hbm>>
        %dma_wait3A_252 = tpu.memref_squeeze %dma_wait3A_251 : memref<1x256xf32, #tpu.memory_space<hbm>> -> memref<256xf32, #tpu.memory_space<hbm>>
        tpu.wait_dma2 semaphore(%run_scoped3A : memref<!tpu.dma_semaphore, #tpu.memory_space<semaphore_mem>>) src(%arg11 : memref<256xf32, #tpu.memory_space<vmem_shared>>) dst(%dma_wait3A_252 : memref<256xf32, #tpu.memory_space<hbm>>)
        tpu.yield
      }) : () -> ()
    } else {
    }
    return
  }
}

module attributes {stable_mosaic.version = 14 : i64} {
  func.func @_tc_body(%arg0: memref<4x256xf32, #tpu.memory_space<vmem>>, %arg1: memref<4x5xf32, #tpu.memory_space<vmem>>, %arg2: memref<4x5xi32, #tpu.memory_space<vmem>>) attributes {dimension_semantics = [], scalar_prefetch = 0 : i64, scratch_operands = 0 : i64, tpu.core_type = #tpu.core_type<tc>} {
    %get3A = arith.constant 0 : index
    %get3A_0 = arith.constant 0 : index
    %get3A_1 = vector.load %arg0[%get3A, %get3A_0] : memref<4x256xf32, #tpu.memory_space<vmem>>, vector<4x256xf32>
    %reduce_sum3A = arith.constant dense<0.000000e+00> : vector<4xf32>
    %reduce_sum3A_2 = vector.multi_reduction <add>, %get3A_1, %reduce_sum3A [1] : vector<4x256xf32> to vector<4xf32>
    %broadcast_in_dim3A = vector.shape_cast %reduce_sum3A_2 : vector<4xf32> to vector<4x1xf32>
    %iota3A = tpu.iota {dimensions = array<i32: 1>} : vector<4x8xi32>
    %iota3A_3 = tpu.iota {dimensions = array<i32: 1>} : vector<4x256xi32>
    %broadcast_in_dim3A_4 = arith.constant 0.000000e+00 : f32
    %broadcast_in_dim3A_5 = vector.broadcast %broadcast_in_dim3A_4 : f32 to vector<4x8xf32>
    %broadcast_in_dim3A_6 = arith.constant 0 : i32
    %broadcast_in_dim3A_7 = vector.broadcast %broadcast_in_dim3A_6 : i32 to vector<4x8xi32>
    %reduce_max3A = arith.constant dense<0xFF800000> : vector<4xf32>
    %reduce_max3A_8 = vector.multi_reduction <maximumf>, %get3A_1, %reduce_max3A [1] : vector<4x256xf32> to vector<4xf32>
    %broadcast_in_dim3A_9 = vector.shape_cast %reduce_max3A_8 : vector<4xf32> to vector<4x1xf32>
    %eq3A = vector.broadcast %broadcast_in_dim3A_9 : vector<4x1xf32> to vector<4x256xf32>
    %eq3A_10 = arith.cmpf oeq, %get3A_1, %eq3A : vector<4x256xf32>
    %jit3A = arith.constant 1073741824 : i32
    %broadcast_in_dim3A_11 = vector.broadcast %jit3A : i32 to vector<4x256xi32>
    %select_n3A = arith.select %eq3A_10, %iota3A_3, %broadcast_in_dim3A_11 : vector<4x256xi1>, vector<4x256xi32>
    %reduce_min3A = arith.constant dense<2147483647> : vector<4xi32>
    %reduce_min3A_12 = vector.multi_reduction <minsi>, %select_n3A, %reduce_min3A [1] : vector<4x256xi32> to vector<4xi32>
    %broadcast_in_dim3A_13 = vector.shape_cast %reduce_min3A_12 : vector<4xi32> to vector<4x1xi32>
    %eq3A_14 = arith.constant 0 : i32
    %eq3A_15 = vector.broadcast %eq3A_14 : i32 to vector<4x8xi32>
    %eq3A_16 = arith.cmpi eq, %iota3A, %eq3A_15 : vector<4x8xi32>
    %broadcast_in_dim3A_17 = vector.shape_cast %broadcast_in_dim3A_9 : vector<4x1xf32> to vector<4x1xf32>
    %broadcast_in_dim3A_18 = vector.broadcast %broadcast_in_dim3A_17 : vector<4x1xf32> to vector<4x8xf32>
    %select_n3A_19 = arith.select %eq3A_16, %broadcast_in_dim3A_18, %broadcast_in_dim3A_5 : vector<4x8xi1>, vector<4x8xf32>
    %eq3A_20 = arith.constant 0 : i32
    %eq3A_21 = vector.broadcast %eq3A_20 : i32 to vector<4x8xi32>
    %eq3A_22 = arith.cmpi eq, %iota3A, %eq3A_21 : vector<4x8xi32>
    %broadcast_in_dim3A_23 = vector.shape_cast %broadcast_in_dim3A_13 : vector<4x1xi32> to vector<4x1xi32>
    %broadcast_in_dim3A_24 = vector.broadcast %broadcast_in_dim3A_23 : vector<4x1xi32> to vector<4x8xi32>
    %select_n3A_25 = arith.select %eq3A_22, %broadcast_in_dim3A_24, %broadcast_in_dim3A_7 : vector<4x8xi1>, vector<4x8xi32>
    %eq3A_26 = vector.broadcast %broadcast_in_dim3A_13 : vector<4x1xi32> to vector<4x256xi32>
    %eq3A_27 = arith.cmpi eq, %iota3A_3, %eq3A_26 : vector<4x256xi32>
    %jit3A_28 = arith.constant -1.000000e+00 : f32
    %broadcast_in_dim3A_29 = vector.broadcast %jit3A_28 : f32 to vector<4x256xf32>
    %select_n3A_30 = arith.select %eq3A_27, %broadcast_in_dim3A_29, %get3A_1 : vector<4x256xi1>, vector<4x256xf32>
    %reduce_max3A_31 = arith.constant dense<0xFF800000> : vector<4xf32>
    %reduce_max3A_32 = vector.multi_reduction <maximumf>, %select_n3A_30, %reduce_max3A_31 [1] : vector<4x256xf32> to vector<4xf32>
    %broadcast_in_dim3A_33 = vector.shape_cast %reduce_max3A_32 : vector<4xf32> to vector<4x1xf32>
    %eq3A_34 = vector.broadcast %broadcast_in_dim3A_33 : vector<4x1xf32> to vector<4x256xf32>
    %eq3A_35 = arith.cmpf oeq, %select_n3A_30, %eq3A_34 : vector<4x256xf32>
    %jit3A_36 = arith.constant 1073741824 : i32
    %broadcast_in_dim3A_37 = vector.broadcast %jit3A_36 : i32 to vector<4x256xi32>
    %select_n3A_38 = arith.select %eq3A_35, %iota3A_3, %broadcast_in_dim3A_37 : vector<4x256xi1>, vector<4x256xi32>
    %reduce_min3A_39 = arith.constant dense<2147483647> : vector<4xi32>
    %reduce_min3A_40 = vector.multi_reduction <minsi>, %select_n3A_38, %reduce_min3A_39 [1] : vector<4x256xi32> to vector<4xi32>
    %broadcast_in_dim3A_41 = vector.shape_cast %reduce_min3A_40 : vector<4xi32> to vector<4x1xi32>
    %eq3A_42 = arith.constant 1 : i32
    %eq3A_43 = vector.broadcast %eq3A_42 : i32 to vector<4x8xi32>
    %eq3A_44 = arith.cmpi eq, %iota3A, %eq3A_43 : vector<4x8xi32>
    %broadcast_in_dim3A_45 = vector.shape_cast %broadcast_in_dim3A_33 : vector<4x1xf32> to vector<4x1xf32>
    %broadcast_in_dim3A_46 = vector.broadcast %broadcast_in_dim3A_45 : vector<4x1xf32> to vector<4x8xf32>
    %select_n3A_47 = arith.select %eq3A_44, %broadcast_in_dim3A_46, %select_n3A_19 : vector<4x8xi1>, vector<4x8xf32>
    %eq3A_48 = arith.constant 1 : i32
    %eq3A_49 = vector.broadcast %eq3A_48 : i32 to vector<4x8xi32>
    %eq3A_50 = arith.cmpi eq, %iota3A, %eq3A_49 : vector<4x8xi32>
    %broadcast_in_dim3A_51 = vector.shape_cast %broadcast_in_dim3A_41 : vector<4x1xi32> to vector<4x1xi32>
    %broadcast_in_dim3A_52 = vector.broadcast %broadcast_in_dim3A_51 : vector<4x1xi32> to vector<4x8xi32>
    %select_n3A_53 = arith.select %eq3A_50, %broadcast_in_dim3A_52, %select_n3A_25 : vector<4x8xi1>, vector<4x8xi32>
    %eq3A_54 = vector.broadcast %broadcast_in_dim3A_41 : vector<4x1xi32> to vector<4x256xi32>
    %eq3A_55 = arith.cmpi eq, %iota3A_3, %eq3A_54 : vector<4x256xi32>
    %jit3A_56 = arith.constant -1.000000e+00 : f32
    %broadcast_in_dim3A_57 = vector.broadcast %jit3A_56 : f32 to vector<4x256xf32>
    %select_n3A_58 = arith.select %eq3A_55, %broadcast_in_dim3A_57, %select_n3A_30 : vector<4x256xi1>, vector<4x256xf32>
    %reduce_max3A_59 = arith.constant dense<0xFF800000> : vector<4xf32>
    %reduce_max3A_60 = vector.multi_reduction <maximumf>, %select_n3A_58, %reduce_max3A_59 [1] : vector<4x256xf32> to vector<4xf32>
    %broadcast_in_dim3A_61 = vector.shape_cast %reduce_max3A_60 : vector<4xf32> to vector<4x1xf32>
    %eq3A_62 = vector.broadcast %broadcast_in_dim3A_61 : vector<4x1xf32> to vector<4x256xf32>
    %eq3A_63 = arith.cmpf oeq, %select_n3A_58, %eq3A_62 : vector<4x256xf32>
    %jit3A_64 = arith.constant 1073741824 : i32
    %broadcast_in_dim3A_65 = vector.broadcast %jit3A_64 : i32 to vector<4x256xi32>
    %select_n3A_66 = arith.select %eq3A_63, %iota3A_3, %broadcast_in_dim3A_65 : vector<4x256xi1>, vector<4x256xi32>
    %reduce_min3A_67 = arith.constant dense<2147483647> : vector<4xi32>
    %reduce_min3A_68 = vector.multi_reduction <minsi>, %select_n3A_66, %reduce_min3A_67 [1] : vector<4x256xi32> to vector<4xi32>
    %broadcast_in_dim3A_69 = vector.shape_cast %reduce_min3A_68 : vector<4xi32> to vector<4x1xi32>
    %eq3A_70 = arith.constant 2 : i32
    %eq3A_71 = vector.broadcast %eq3A_70 : i32 to vector<4x8xi32>
    %eq3A_72 = arith.cmpi eq, %iota3A, %eq3A_71 : vector<4x8xi32>
    %broadcast_in_dim3A_73 = vector.shape_cast %broadcast_in_dim3A_61 : vector<4x1xf32> to vector<4x1xf32>
    %broadcast_in_dim3A_74 = vector.broadcast %broadcast_in_dim3A_73 : vector<4x1xf32> to vector<4x8xf32>
    %select_n3A_75 = arith.select %eq3A_72, %broadcast_in_dim3A_74, %select_n3A_47 : vector<4x8xi1>, vector<4x8xf32>
    %eq3A_76 = arith.constant 2 : i32
    %eq3A_77 = vector.broadcast %eq3A_76 : i32 to vector<4x8xi32>
    %eq3A_78 = arith.cmpi eq, %iota3A, %eq3A_77 : vector<4x8xi32>
    %broadcast_in_dim3A_79 = vector.shape_cast %broadcast_in_dim3A_69 : vector<4x1xi32> to vector<4x1xi32>
    %broadcast_in_dim3A_80 = vector.broadcast %broadcast_in_dim3A_79 : vector<4x1xi32> to vector<4x8xi32>
    %select_n3A_81 = arith.select %eq3A_78, %broadcast_in_dim3A_80, %select_n3A_53 : vector<4x8xi1>, vector<4x8xi32>
    %eq3A_82 = vector.broadcast %broadcast_in_dim3A_69 : vector<4x1xi32> to vector<4x256xi32>
    %eq3A_83 = arith.cmpi eq, %iota3A_3, %eq3A_82 : vector<4x256xi32>
    %jit3A_84 = arith.constant -1.000000e+00 : f32
    %broadcast_in_dim3A_85 = vector.broadcast %jit3A_84 : f32 to vector<4x256xf32>
    %select_n3A_86 = arith.select %eq3A_83, %broadcast_in_dim3A_85, %select_n3A_58 : vector<4x256xi1>, vector<4x256xf32>
    %reduce_max3A_87 = arith.constant dense<0xFF800000> : vector<4xf32>
    %reduce_max3A_88 = vector.multi_reduction <maximumf>, %select_n3A_86, %reduce_max3A_87 [1] : vector<4x256xf32> to vector<4xf32>
    %broadcast_in_dim3A_89 = vector.shape_cast %reduce_max3A_88 : vector<4xf32> to vector<4x1xf32>
    %eq3A_90 = vector.broadcast %broadcast_in_dim3A_89 : vector<4x1xf32> to vector<4x256xf32>
    %eq3A_91 = arith.cmpf oeq, %select_n3A_86, %eq3A_90 : vector<4x256xf32>
    %jit3A_92 = arith.constant 1073741824 : i32
    %broadcast_in_dim3A_93 = vector.broadcast %jit3A_92 : i32 to vector<4x256xi32>
    %select_n3A_94 = arith.select %eq3A_91, %iota3A_3, %broadcast_in_dim3A_93 : vector<4x256xi1>, vector<4x256xi32>
    %reduce_min3A_95 = arith.constant dense<2147483647> : vector<4xi32>
    %reduce_min3A_96 = vector.multi_reduction <minsi>, %select_n3A_94, %reduce_min3A_95 [1] : vector<4x256xi32> to vector<4xi32>
    %broadcast_in_dim3A_97 = vector.shape_cast %reduce_min3A_96 : vector<4xi32> to vector<4x1xi32>
    %eq3A_98 = arith.constant 3 : i32
    %eq3A_99 = vector.broadcast %eq3A_98 : i32 to vector<4x8xi32>
    %eq3A_100 = arith.cmpi eq, %iota3A, %eq3A_99 : vector<4x8xi32>
    %broadcast_in_dim3A_101 = vector.shape_cast %broadcast_in_dim3A_89 : vector<4x1xf32> to vector<4x1xf32>
    %broadcast_in_dim3A_102 = vector.broadcast %broadcast_in_dim3A_101 : vector<4x1xf32> to vector<4x8xf32>
    %select_n3A_103 = arith.select %eq3A_100, %broadcast_in_dim3A_102, %select_n3A_75 : vector<4x8xi1>, vector<4x8xf32>
    %eq3A_104 = arith.constant 3 : i32
    %eq3A_105 = vector.broadcast %eq3A_104 : i32 to vector<4x8xi32>
    %eq3A_106 = arith.cmpi eq, %iota3A, %eq3A_105 : vector<4x8xi32>
    %broadcast_in_dim3A_107 = vector.shape_cast %broadcast_in_dim3A_97 : vector<4x1xi32> to vector<4x1xi32>
    %broadcast_in_dim3A_108 = vector.broadcast %broadcast_in_dim3A_107 : vector<4x1xi32> to vector<4x8xi32>
    %select_n3A_109 = arith.select %eq3A_106, %broadcast_in_dim3A_108, %select_n3A_81 : vector<4x8xi1>, vector<4x8xi32>
    %eq3A_110 = vector.broadcast %broadcast_in_dim3A_97 : vector<4x1xi32> to vector<4x256xi32>
    %eq3A_111 = arith.cmpi eq, %iota3A_3, %eq3A_110 : vector<4x256xi32>
    %jit3A_112 = arith.constant -1.000000e+00 : f32
    %broadcast_in_dim3A_113 = vector.broadcast %jit3A_112 : f32 to vector<4x256xf32>
    %select_n3A_114 = arith.select %eq3A_111, %broadcast_in_dim3A_113, %select_n3A_86 : vector<4x256xi1>, vector<4x256xf32>
    %reduce_max3A_115 = arith.constant dense<0xFF800000> : vector<4xf32>
    %reduce_max3A_116 = vector.multi_reduction <maximumf>, %select_n3A_114, %reduce_max3A_115 [1] : vector<4x256xf32> to vector<4xf32>
    %broadcast_in_dim3A_117 = vector.shape_cast %reduce_max3A_116 : vector<4xf32> to vector<4x1xf32>
    %eq3A_118 = vector.broadcast %broadcast_in_dim3A_117 : vector<4x1xf32> to vector<4x256xf32>
    %eq3A_119 = arith.cmpf oeq, %select_n3A_114, %eq3A_118 : vector<4x256xf32>
    %jit3A_120 = arith.constant 1073741824 : i32
    %broadcast_in_dim3A_121 = vector.broadcast %jit3A_120 : i32 to vector<4x256xi32>
    %select_n3A_122 = arith.select %eq3A_119, %iota3A_3, %broadcast_in_dim3A_121 : vector<4x256xi1>, vector<4x256xi32>
    %reduce_min3A_123 = arith.constant dense<2147483647> : vector<4xi32>
    %reduce_min3A_124 = vector.multi_reduction <minsi>, %select_n3A_122, %reduce_min3A_123 [1] : vector<4x256xi32> to vector<4xi32>
    %broadcast_in_dim3A_125 = vector.shape_cast %reduce_min3A_124 : vector<4xi32> to vector<4x1xi32>
    %eq3A_126 = arith.constant 4 : i32
    %eq3A_127 = vector.broadcast %eq3A_126 : i32 to vector<4x8xi32>
    %eq3A_128 = arith.cmpi eq, %iota3A, %eq3A_127 : vector<4x8xi32>
    %broadcast_in_dim3A_129 = vector.shape_cast %broadcast_in_dim3A_117 : vector<4x1xf32> to vector<4x1xf32>
    %broadcast_in_dim3A_130 = vector.broadcast %broadcast_in_dim3A_129 : vector<4x1xf32> to vector<4x8xf32>
    %select_n3A_131 = arith.select %eq3A_128, %broadcast_in_dim3A_130, %select_n3A_103 : vector<4x8xi1>, vector<4x8xf32>
    %eq3A_132 = arith.constant 4 : i32
    %eq3A_133 = vector.broadcast %eq3A_132 : i32 to vector<4x8xi32>
    %eq3A_134 = arith.cmpi eq, %iota3A, %eq3A_133 : vector<4x8xi32>
    %broadcast_in_dim3A_135 = vector.shape_cast %broadcast_in_dim3A_125 : vector<4x1xi32> to vector<4x1xi32>
    %broadcast_in_dim3A_136 = vector.broadcast %broadcast_in_dim3A_135 : vector<4x1xi32> to vector<4x8xi32>
    %select_n3A_137 = arith.select %eq3A_134, %broadcast_in_dim3A_136, %select_n3A_109 : vector<4x8xi1>, vector<4x8xi32>
    %div3A = vector.broadcast %broadcast_in_dim3A : vector<4x1xf32> to vector<4x8xf32>
    %div3A_138 = arith.divf %select_n3A_131, %div3A : vector<4x8xf32>
    %slice3A = vector.extract_strided_slice %div3A_138 {offsets = [0, 0], sizes = [4, 5], strides = [1, 1]} : vector<4x8xf32> to vector<4x5xf32>
    %swap3A = arith.constant 0 : index
    %swap3A_139 = arith.constant 0 : index
    %swap3A_140 = vector.load %arg1[%swap3A, %swap3A_139] : memref<4x5xf32, #tpu.memory_space<vmem>>, vector<4x5xf32>
    tpu.vector_store %arg1[%swap3A, %swap3A_139], %slice3A {strides = array<i32>} : memref<4x5xf32, #tpu.memory_space<vmem>>, vector<4x5xf32>,
    %slice3A_141 = vector.extract_strided_slice %select_n3A_137 {offsets = [0, 0], sizes = [4, 5], strides = [1, 1]} : vector<4x8xi32> to vector<4x5xi32>
    %swap3A_142 = arith.constant 0 : index
    %swap3A_143 = arith.constant 0 : index
    %swap3A_144 = vector.load %arg2[%swap3A_142, %swap3A_143] : memref<4x5xi32, #tpu.memory_space<vmem>>, vector<4x5xi32>
    tpu.vector_store %arg2[%swap3A_142, %swap3A_143], %slice3A_141 {strides = array<i32>} : memref<4x5xi32, #tpu.memory_space<vmem>>, vector<4x5xi32>,
    return
  }
}

</mosaic_0001>

<sc_bundles>
// kernel: kernel.4.cloned.1.call-start
scs
__scs_entry_jumppad:
0x0: {  	(pc) =	sbr.rel $0x88, $3  }
0x1: {  	(tag) =	ssettag $0x0;
	lr =	simm.s32 $0x1  }
0x2: {  	[smem:$0x3F9F] =	sst lr;
	_ =	strace $0xD0000000  }
0x3: {  	_ = 	snop  }
0x4: {  	_ = 	snop  }
0x5: {  	_ = 	snop  }
0x6: {  	_ = 	snop  }
0x7: {  	_ = 	snop  }
__scs_overlays_trampoline_lowered:
0x8: {  	[smem:$0x3FAE] =	sst s0  }
0x9: {  	[smem:$0x3FAF] =	sst s1  }
0xa: {  	[smem:$0x3FB0] =	sst s2  }
0xb: {  	[smem:$0x3FB1] =	sst s3  }
0xc: {  	[smem:$0x3FB2] =	sst s4  }
0xd: {  	[smem:$0x3FB3] =	sst s5  }
0xe: {  	[smem:$0x3FB4] =	sst s6  }
0xf: {  	[smem:$0x3FB5] =	sst s7  }
0x10: {  	[smem:$0x3FB6] =	sst s8  }
0x11: {  	[smem:$0x3FB7] =	sst s9;
	s0 =	simm.s32 @!p0 $0x0  }
0x12: {  	s1 =	sld [smem:$0x3F9D];
	s0 =	simm.s32 @p0 $0x1  }
0x13: {  	[smem:$0x3FB8] =	sst s0;
	s0 =	simm.s32 @!p1 $0x0  }
0x14: {  	s2 =	sld [smem:$0x3F9C];
	s0 =	simm.s32 @p1 $0x1  }
0x15: {  	[smem:$0x3FB9] =	sst s0;
	s0 =	simm.s32 @!p2 $0x0  }
0x16: {  	s3 =	sld [smem:$0x3FDB];
	s0 =	simm.s32 @p2 $0x1  }
0x17: {  	s4 =	simm.s32 $0x1BF5;
	[smem:$0x3FBB] =	sst s0  }
0x18: {  	s0 =	sld [smem:$0x3F9E];
	_ =	swait.ge [sflag:s4], $0x0  }
0x19: {  	s7 =	sld [smem:$0x3F9F]  }
0x1a: {  	s8 =	sadd.s32 $0xFFFFE003, lr  }
0x1b: {  	s9 =	sadd.s32 $0xFFFFFEF7, lr;
	s5 =	simm.s32 $0xFFFFFFFF;
	p2 =	slt.u32 s8, $0xFFFFF086  }
0x1c: {  	p1 =	slt.u32 s9, $0xF7A;
	s5 =	simm.s32 @!p2 $0x0  }
0x1d: {  	s5 =	simm.s32 @p1 $0x1;
	p0 =	seq.s32 s7, s2  }
0x1e: {  	s7 =	smul.u32 @!p0 $0xF7A, s2;
	p2 =	seq.s32 @!p0 s5, $0x0  }
0x1f: {  	s9 =	smul.u32 $0xF7A, s1;
	s8 =	simm.s32 @!p0 $0x1BF5;
	p2 =	por !p2, p0  }
0x20: {  	[sflag:s8] =	ssyncset.s32 @!p0 $0xFFFFF086;
	s6 =	sadd.s32 @!p0 s3, s7;
	s7 =	simm.s32 @!p0 $0x108  }
0x21: {  	s3 =	sadd.s32 s3, s9;
	s6 =	sadd.s32 @!p0 $0x88, s6;
	s7 =	simm.s32 @p2 $0x1082  }
0x22: {  	[simem:s7], [sflag:s8] =	dma.local @!p0 [hbm:s6], $0xF7A  }
0x23: {  	s9 =	sor.u32 $0xD0000000, s2;
	s6 =	simm.s32 $0x108;
	_ =	swait.ge @!p0 [sflag:s8], $0x0  }
0x24: {  	s3 =	sadd.s32 $0x88, s3;
	s6 =	simm.s32 @!p1 $0x1082;
	[sflag:s4] =	ssyncset.s32 $0xFFFFF086  }
0x25: {  	[simem:s6], [sflag:s4] =	dma.local [hbm:s3], $0xF7A  }
0x26: {  	[smem:$0x3F9F] =	sst s1;
	(tag) =	ssettag s2;
	_ =	strace s9  }
0x27: {  	s1 =	sld [smem:$0x3FAF]  }
0x28: {  	s2 =	sld [smem:$0x3FB0]  }
0x29: {  	s4 =	sld [smem:$0x3FB2]  }
0x2a: {  	p0 =	seq.s32 s5, $0x0;
	s5 =	sld [smem:$0x3FB3]  }
0x2b: {  	s6 =	sld [smem:$0x3FB4]  }
0x2c: {  	s7 =	sld [smem:$0x3FB5]  }
0x2d: {  	s3 =	simm.s32 $0x108;
	s8 =	sld [smem:$0x3FB6]  }
0x2e: {  	s3 =	simm.s32 @!p0 $0x1082;
	s9 =	sld [smem:$0x3FB7]  }
0x2f: {  	lr =	sadd.s32 s0, s3;
	s0 =	sld [smem:$0x3FAE]  }
0x30: {  	s3 =	sld [smem:$0x3FB1]  }
0x31: {  	[smem:$0x3FBA] =	sst s10  }
0x32: {  	s10 =	sld [smem:$0x3FB8];
	_ =	sdelay $0x3  }
0x33: {  	p0 =	seq.s32 s10, $0x1;
	s10 =	sld [smem:$0x3FBA];
	_ =	sdelay $0x3  }
0x34: {  	[smem:$0x3FBA] =	sst s10  }
0x35: {  	s10 =	sld [smem:$0x3FB9];
	_ =	sdelay $0x3  }
0x36: {  	p1 =	seq.s32 s10, $0x1;
	s10 =	sld [smem:$0x3FBA];
	_ =	sdelay $0x3  }
0x37: {  	[smem:$0x3FBA] =	sst s10  }
0x38: {  	s10 =	sld [smem:$0x3FBB]  }
0x39: {  	_ = 	snop;
	(pc) =	sbr.ind lr, $3  }
0x3a: {  	_ = 	snop  }
0x3b: {  	_ = 	snop  }
0x3c: {  	p2 =	seq.s32 s10, $0x1;
	s10 =	sld [smem:$0x3FBA]  }
0x3d: {  	_ =	shalt  }
0x3e: {  	_ =	shalt  }
0x3f: {  	_ =	shalt  }
0x40: {  	_ =	shalt  }
0x41: {  	_ =	shalt  }
0x42: {  	_ =	shalt  }
0x43: {  	_ =	shalt  }
0x44: {  	_ =	shalt  }
0x45: {  	_ =	shalt  }
0x46: {  	_ =	shalt  }
0x47: {  	_ =	shalt  }
0x48: {  	_ =	shalt  }
0x49: {  	_ =	shalt  }
0x4a: {  	_ =	shalt  }
0x4b: {  	_ =	shalt  }
0x4c: {  	_ =	shalt  }
0x4d: {  	_ =	shalt  }
0x4e: {  	_ =	shalt  }
0x4f: {  	_ =	shalt  }
0x50: {  	_ =	shalt  }
0x51: {  	_ =	shalt  }
0x52: {  	_ =	shalt  }
0x53: {  	_ =	shalt  }
0x54: {  	_ =	shalt  }
0x55: {  	_ =	shalt  }
0x56: {  	_ =	shalt  }
0x57: {  	_ =	shalt  }
0x58: {  	_ =	shalt  }
0x59: {  	_ =	shalt  }
0x5a: {  	_ =	shalt  }
0x5b: {  	_ =	shalt  }
0x5c: {  	_ =	shalt  }
0x5d: {  	_ =	shalt  }
0x5e: {  	_ =	shalt  }
0x5f: {  	_ =	shalt  }
0x60: {  	_ =	shalt  }
0x61: {  	_ =	shalt  }
0x62: {  	_ =	shalt  }
0x63: {  	_ =	shalt  }
0x64: {  	_ =	shalt  }
0x65: {  	_ =	shalt  }
0x66: {  	_ =	shalt  }
0x67: {  	_ =	shalt  }
0x68: {  	_ =	shalt  }
0x69: {  	_ =	shalt  }
0x6a: {  	_ =	shalt  }
0x6b: {  	_ =	shalt  }
0x6c: {  	_ =	shalt  }
0x6d: {  	_ =	shalt  }
0x6e: {  	_ =	shalt  }
0x6f: {  	_ =	shalt  }
0x70: {  	_ =	shalt  }
0x71: {  	_ =	shalt  }
0x72: {  	_ =	shalt  }
0x73: {  	_ =	shalt  }
0x74: {  	_ =	shalt  }
0x75: {  	_ =	shalt  }
0x76: {  	_ =	shalt  }
0x77: {  	_ =	shalt  }
0x78: {  	_ =	shalt  }
0x79: {  	_ =	shalt  }
0x7a: {  	_ =	shalt  }
0x7b: {  	_ =	shalt  }
0x7c: {  	_ =	shalt  }
0x7d: {  	_ =	shalt  }
0x7e: {  	_ =	shalt  }
0x7f: {  	_ =	shalt  }
0x80: {  	_ =	shalt  }
0x81: {  	_ =	shalt  }
0x82: {  	_ =	shalt  }
0x83: {  	_ =	shalt  }
0x84: {  	_ =	shalt  }
0x85: {  	_ =	shalt  }
0x86: {  	_ =	shalt  }
0x87: {  	_ =	shalt  }
.Lfunc_end0:
.L_simem_size_0:
called_computation_lowered:
.L_overlay_start_0:
0x88: {  	s2 =	sld [smem:$0x3FD9]  }
0x89: {  	s3 =	sld [smem:$0x3FFE];
	_ =	sdelay $0x1  }
0x8a: {  	s1 =	srdreg.scid  }
0x8b: {  	s0 =	sand.u32 $0x1, s1  }
0x8c: {  	s17 =	sshll.u32 s0, $0xA;
	s2 =	sadd.s32 s3, s2  }
0x8d: {  	s2 =	sadd.s32 s2, s17  }
0x8e: {  	[smem:$0x3FC6] =	sst s2  }
0x8f: {  	_ = 	snop  }
0x90: {  	s2 =	sld [smem:$0x3FC9]  }
0x91: {  	s18 =	sld [smem:$0x3FC8];
	(tm) =	ssettm $0x1  }
0x92: {  	s4 =	sld [smem:$0x3FFB];
	_ =	sdelay $0x3  }
0x93: {  	_ =	strace s4  }
0x94: {  	s4 =	sld [smem:$0x3FFC];
	_ =	sdelay $0x3  }
0x95: {  	_ =	strace s4  }
0x96: {  	s4 =	sld [smem:$0x3FFD];
	_ =	sdelay $0x3  }
0x97: {  	_ =	strace s4  }
0x98: {  	_ =	strace $0x8FFFFFFF  }
0x99: {  	s19 =	sld [smem:$0x3FDB];
	_ =	sdelay $0x1  }
0x9a: {  	s5 =	simm.s32 $_scs_section_size  }
0x9b: {  	s6 =	simm.s32 $_size__tile_overlayer_lowered;
	s7 =	simm.s32 $_tile_overlayer_lowered  }
0x9c: {  	s22 =	simm.s32 $0x1BFF;
	s21 =	sshll.u32 s7, $0x1;
	s4 =	sadd.s32 s5, s19  }
0x9d: {  	s8 =	simm.s32 $0x0;
	s20 =	sshll.u32 s6, $0x1;
	s6 =	sadd.s32 s21, s4  }
0x9e: {  	[timem:s8], [sflag:s22] =	dma.local [hbm:s6], s20  }
0x9f: {  	_ =	swait.ge [sflag:s22], s20  }
0xa0: {  	s5 =	ssub.s32 $0x0, s20;
	[sflag:s22] =	ssyncset.done $0x0  }
0xa1: {  	[sflag:s22] =	ssyncadd.s32 s5;
	_ =	sdelay $0x1  }
0xa2: {  	s23 =	simm.s32 $0x1B8B  }
0xa3: {  	_ =	swait.ge [sflag:s23], $0x1  }
0xa4: {  	[sflag:s23] =	ssyncset.done $0x0  }
0xa5: {  	s25 =	simm.s32 $0x1B8E;
	s24 =	sld [smem:$0x3FFE];
	[sflag:s23] =	ssyncadd.s32 $0xFFFFFFFF  }
0xa6: {  	s26 =	simm.s32 $execute0_lowered;
	[smem:$0x3FD2] =	sst s25  }
0xa7: {  	s6 =	sshll.u32 s26, $0x1;
	_ =	strace $0x80000046;
	[dreg:$0x1] =	wrdreg $0xFFFFFFFF  }
0xa8: {  	s28 =	simm.s32 $_size_execute0_lowered;
	s4 =	sadd.s32 s4, s6;
	[dreg:$0x0] =	wrdreg $0x0  }
0xa9: {  	s6 =	sshll.u32 s28, $0x1;
	[dreg:$0x2] =	wrdreg s4  }
0xaa: {  	[dreg:$0x3] =	wrdreg s6  }
0xab: {  	[dreg:$0x4] =	wrdreg $0xC0  }
0xac: {  	_ =	task [dreg:s8], $0x5FFFF  }
0xad: {  	[dreg:$0x1] =	wrdreg $0xFFFFFFFF  }
0xae: {  	[dreg:$0x0] =	wrdreg $0x60  }
0xaf: {  	[dreg:$0x2] =	wrdreg s2  }
0xb0: {  	[dreg:$0x3] =	wrdreg s18  }
0xb1: {  	[dreg:$0x4] =	wrdreg s24  }
0xb2: {  	[dreg:$0x5] =	wrdreg $0x47000  }
0xb3: {  	[dreg:$0x6] =	wrdreg $0x47100  }
0xb4: {  	[dreg:$0x7] =	wrdreg $0x9  }
0xb5: {  	_ =	task.clear_ibuf [dreg:s8], $0x8FFFF;
	_ =	strace $0x90000046  }
0xb6: {  	s29 =	simm.s32 $0x9;
	_ =	strace $0x80000048  }
0xb7: {  	_ =	swait.ge [sflag:s29], $0x1  }
0xb8: {  	[sflag:s29] =	ssyncadd.s32 $0xFFFFFFFF  }
0xb9: {  	_ =	strace $0x90000048  }
0xba: {  	_ =	sfence  }
0xbb: {  	s30 =	sld [smem:$0x0];
	_ =	sdelay $0x2  }
0xbc: {  	s31 =	sshll.u32 s1, $0xD;
	s1 =	sshrl.u32 s1, $0x2  }
0xbd: {  	s3 =	sand.u32 $0x4000, s31;
	s1 =	sadd.s32 s1, s30  }
0xbe: {  	s0 =	sor.u32 s3, s0;
	s1 =	sshll.u32 s1, $0x11  }
0xbf: {  	s0 =	sor.u32 s1, s0  }
0xc0: {  	s0 =	sadd.s32 $0x8F2B, s0  }
0xc1: {  	[sflag:s0] =	ssyncadd.remote.s32 $0x1  }
0xc2: {  	_ =	sfence.sel $0xFFFF  }
0xc3: {  	[dreg:$0x0] =	wrdreg $0xFFFFFFFF;
	(pc) =	sbr.abs _section_cstart, $3  }
0xc4: {  	[dreg:$0x1] =	wrdreg $0xFFFFFFFF  }
0xc5: {  	_ =	task.clear_ibuf [dreg:s8], $0x2FFFF;
	_ =	strace $0x9FFFFFFF  }
0xc6: {  	(tm) =	ssettm $0x7FFFFFFF  }
0xc7: {  	_ =	shalt  }
tec
execute0_lowered:
.L_overlay_start_1:
0x0: {  	(tag) =	ssettag $0x1  }
0x1: {  	s0 =	rddreg [dreg:$0x0]  }
0x2: {  	s5 =	rddreg [dreg:$0x1]  }
0x3: {  	s4 =	rddreg [dreg:$0x2]  }
0x4: {  	s1 =	rddreg [dreg:$0x3]  }
0x5: {  	s2 =	rddreg [dreg:$0x4];
	s3 =	simm.s32 $0x0;
	s6 =	srdreg.scid  }
0x6: {  	s7 =	stileid.u32;
	s30 =	simm.s32 $0x2;
	s31 =	simm.s32 $0x4080  }
0x7: {  	s28 =	simm.s32 $0x3;
	s29 =	simm.s32 $0x4100;
	[smem:$0x7FF] =	sst s3  }
0x8: {  	s6 =	sand.u32 $0x1, s6;
	s9 =	sshll.u32 s7, $0x9;
	s19 =	sshll.u32 s7, $0x6  }
0x9: {  	p0 =	sne.s32 s7, $0x0;
	s7 =	simm.s32 $0x6;
	_ =	strace $0x80000047  }
0xa: {  	s8 =	sshll.u32 s6, $0xF;
	s10 =	sshll.u32 s6, $0x5;
	s6 =	ssub.s32 $0x2, s6  }
0xb: {  	s5 =	sadd.s32 s5, s19;
	s8 =	sor.u32 s9, s8;
	s15 =	sadd.s32 s10, s4  }
0xc: {  	s16 =	sshrl.u32 s6, $0x1;
	[dreg:$0x9] =	wrdreg s5;
	s21 =	sadd.s32 $0x600, s15  }
0xd: {  	s4 =	sadd.s32 s0, s8;
	s22 =	sadd.s32 $0x610, s15;
	[dreg:$0xa] =	wrdreg s21  }
0xe: {  	s5 =	simm.s32 $0x4;
	s18 =	sadd.s32 $0x80, s4;
	[dreg:$0xb] =	wrdreg s22  }
0xf: {  	s17 =	ssub.s32 s6, s16;
	s8 =	sadd.s32 $0x100, s4;
	[dreg:$0x6] =	wrdreg s18  }
0x10: {  	s6 =	simm.s32 $0x4180;
	s20 =	sadd.s32 $0x180, s4;
	[dreg:$0x7] =	wrdreg s8  }
0x11: {  	s0 =	smax.u32 s17, $0x1;
	s23 =	sadd.s32 $0x2000, s4;
	[dreg:$0x8] =	wrdreg s20  }
0x12: {  	s24 =	sadd.s32 $0x4000, s4;
	s25 =	sadd.s32 $0x6000, s4;
	[dreg:$0xc] =	wrdreg s0  }
0x13: {  	s26 =	sadd.s32 $0x2080, s4;
	s16 =	sadd.s32 $0x4080, s4;
	[dreg:$0xd] =	wrdreg s23  }
0x14: {  	s17 =	sadd.s32 $0x6080, s4;
	s19 =	sadd.s32 $0x4100, s4;
	[dreg:$0xe] =	wrdreg s24  }
0x15: {  	s21 =	sadd.s32 $0x2180, s4;
	s22 =	sadd.s32 $0x4180, s4;
	[dreg:$0xf] =	wrdreg s25  }
0x16: {  	[dreg:$0x10] =	wrdreg s26;
	s18 =	sadd.s32 $0x2100, s4;
	s20 =	sadd.s32 $0x6100, s4  }
0x17: {  	s23 =	sadd.s32 $0x6180, s4;
	s0 =	simm.s32 $0x4000;
	s24 =	simm.s32 $0x5  }
0x18: {  	s25 =	simm.s32 $0x1;
	s26 =	simm.s32 $0x80;
	s8 =	simm.s32 $0x0  }
.LBB2_1:
0x19: {  	[tilespmem:s3], [sflag:$0x1] =	stream.linear.gather [hbm4b:s4+s3], $0x400, $0x38;
	[tilespmem:$0x4720] =	vst v63  }
0x1a: {  	s9 =	rddreg [dreg:$0xd];
	s10 =	simm.s32 $0x1000  }
0x1b: {  	[tilespmem:s10], [sflag:$0x1] =	stream.linear.gather [hbm4b:s9+s3], $0x400, $0x38;
	[tilespmem:$0x4720] =	vst v63  }
0x1c: {  	s12 =	rddreg [dreg:$0xe];
	s13 =	simm.s32 $0x2000  }
0x1d: {  	[tilespmem:s13], [sflag:$0x1] =	stream.linear.gather [hbm4b:s12+s3], $0x400, $0x38;
	[tilespmem:$0x4720] =	vst v63  }
0x1e: {  	s14 =	rddreg [dreg:$0xf];
	s15 =	simm.s32 $0x3000  }
0x1f: {  	[tilespmem:s15], [sflag:$0x1] =	stream.linear.gather [hbm4b:s14+s3], $0x400, $0x38;
	[tilespmem:$0x4720] =	vst v63  }
0x20: {  	s11 =	rddreg [dreg:$0x6];
	s12 =	simm.s32 $0x400  }
0x21: {  	[tilespmem:s12], [sflag:$0x2] =	stream.linear.gather [hbm4b:s11+s3], $0x400, $0x38;
	[tilespmem:$0x4720] =	vst v63  }
0x22: {  	s13 =	rddreg [dreg:$0x10];
	s14 =	simm.s32 $0x1400  }
0x23: {  	[tilespmem:s14], [sflag:$0x2] =	stream.linear.gather [hbm4b:s13+s3], $0x400, $0x38;
	[tilespmem:$0x4720] =	vst v63  }
0x24: {  	s15 =	simm.s32 $0x2400  }
0x25: {  	[tilespmem:s15], [sflag:$0x2] =	stream.linear.gather [hbm4b:s16+s3], $0x400, $0x38;
	[tilespmem:$0x4720] =	vst v63  }
0x26: {  	s10 =	simm.s32 $0x3400  }
0x27: {  	[tilespmem:s10], [sflag:$0x2] =	stream.linear.gather [hbm4b:s17+s3], $0x400, $0x38;
	[tilespmem:$0x4720] =	vst v63  }
0x28: {  	s11 =	rddreg [dreg:$0x7];
	s12 =	simm.s32 $0x800  }
0x29: {  	[tilespmem:s12], [sflag:$0x3] =	stream.linear.gather [hbm4b:s11+s3], $0x400, $0x38;
	[tilespmem:$0x4720] =	vst v63  }
0x2a: {  	s13 =	simm.s32 $0x1800  }
0x2b: {  	[tilespmem:s13], [sflag:$0x3] =	stream.linear.gather [hbm4b:s18+s3], $0x400, $0x38;
	[tilespmem:$0x4720] =	vst v63  }
0x2c: {  	s14 =	simm.s32 $0x2800  }
0x2d: {  	[tilespmem:s14], [sflag:$0x3] =	stream.linear.gather [hbm4b:s19+s3], $0x400, $0x38;
	[tilespmem:$0x4720] =	vst v63  }
0x2e: {  	s15 =	simm.s32 $0x3800  }
0x2f: {  	[tilespmem:s15], [sflag:$0x3] =	stream.linear.gather [hbm4b:s20+s3], $0x400, $0x38;
	[tilespmem:$0x4720] =	vst v63  }
0x30: {  	s10 =	rddreg [dreg:$0x8];
	s11 =	simm.s32 $0xC00  }
0x31: {  	[tilespmem:s11], [sflag:$0x4] =	stream.linear.gather [hbm4b:s10+s3], $0x400, $0x38;
	[tilespmem:$0x4720] =	vst v63  }
0x32: {  	s12 =	simm.s32 $0x1C00  }
0x33: {  	[tilespmem:s12], [sflag:$0x4] =	stream.linear.gather [hbm4b:s21+s3], $0x400, $0x38;
	[tilespmem:$0x4720] =	vst v63  }
0x34: {  	s13 =	simm.s32 $0x2C00  }
0x35: {  	[tilespmem:s13], [sflag:$0x4] =	stream.linear.gather [hbm4b:s22+s3], $0x400, $0x38;
	[tilespmem:$0x4720] =	vst v63  }
0x36: {  	s14 =	simm.s32 $0x3C00  }
0x37: {  	[tilespmem:s14], [sflag:$0x4] =	stream.linear.gather [hbm4b:s23+s3], $0x400, $0x38;
	[tilespmem:$0x4720] =	vst v63  }
0x38: {  	s15 =	rddreg [dreg:$0x9]  }
0x39: {  	v0 =	vimm.f32 @!p0 $0.0e+00;
	[tilespmem:s0], [sflag:$0x5] =	stream.linear.gather [hbm4b:s15+s3], $0x200, $0x38;
	[tilespmem:$0x4720] =	vst v63  }
0x3a: {  	[tilespmem:$0x4600] =	vst @!p0 v0  }
0x3b: {  	[tilespmem:$0x4610] =	vst @!p0 v0  }
0x3c: {  	[tilespmem:$0x4620] =	vst @!p0 v0  }
0x3d: {  	[tilespmem:$0x4630] =	vst @!p0 v0  }
0x3e: {  	[tilespmem:$0x4640] =	vst @!p0 v0  }
0x3f: {  	[tilespmem:$0x4650] =	vst @!p0 v0  }
0x40: {  	[tilespmem:$0x4660] =	vst @!p0 v0  }
0x41: {  	[tilespmem:$0x4670] =	vst @!p0 v0  }
0x42: {  	[tilespmem:$0x4680] =	vst @!p0 v0  }
0x43: {  	[tilespmem:$0x4690] =	vst @!p0 v0  }
0x44: {  	[tilespmem:$0x46A0] =	vst @!p0 v0  }
0x45: {  	[tilespmem:$0x46B0] =	vst @!p0 v0  }
0x46: {  	[tilespmem:$0x46C0] =	vst @!p0 v0  }
0x47: {  	[tilespmem:$0x46D0] =	vst @!p0 v0  }
0x48: {  	[tilespmem:$0x46E0] =	vst @!p0 v0  }
0x49: {  	s9 =	simm.s32 @!p0 $0x4600;
	s10 =	simm.s32 @!p0 $0x7;
	[tilespmem:$0x46F0] =	vst @!p0 v0  }
0x4a: {  	[spmem:s1] =	stream.linear.scatter @!p0 [tilespmem:s9], [sflag:$0x7], $0x100, $0x38;
	[tilespmem:$0x4720] =	vst v63  }
0x4b: {  	_ =	swait.ge @!p0 [sflag:s10], $0x100  }
0x4c: {  	[sflag:s10] =	ssyncset.done @!p0 $0x0  }
0x4d: {  	[sflag:s10] =	ssyncadd.s32 @!p0 $0xFFFFFF00  }
0x4e: {  	[spmem:s2] =	stream.linear.scatter @!p0 [tilespmem:s9], [sflag:$0x7], $0x100, $0x38;
	[tilespmem:$0x4720] =	vst v63  }
0x4f: {  	_ =	swait.ge @!p0 [sflag:s10], $0x100  }
0x50: {  	[sflag:s10] =	ssyncset.done @!p0 $0x0  }
0x51: {  	[sflag:s10] =	ssyncadd.s32 @!p0 $0xFFFFFF00  }
0x52: {  	[bflag:$0x0] =	sbarrier.arrive $0xFFFF  }
0x53: {  	_ =	swait.ge [sflag:s24], $0x200  }
0x54: {  	[sflag:s24] =	ssyncset.done $0x0  }
0x55: {  	[sflag:s24] =	ssyncadd.s32 $0xFFFFFE00  }
0x56: {  	_ =	swait.ge [sflag:s25], $0x1000  }
0x57: {  	[sflag:s25] =	ssyncset.done $0x0  }
0x58: {  	s9 =	simm.s32 $0x0;
	[sflag:s25] =	ssyncadd.s32 $0xFFFFF000  }
0x59: {  	v0 =	vld [tilespmem:s9+$0x2000]  }
0x5a: {  	v1 =	vld [tilespmem:s9+$0x2080]  }
0x5b: {  	v2 =	vld [tilespmem:s9+$0x2100]  }
0x5c: {  	v4 =	vld [tilespmem:s9+$0x2180]  }
0x5d: {  	v3 =	vld [tilespmem:s9+$0x2200]  }
0x5e: {  	v5 =	vld [tilespmem:s9+$0x2280]  }
0x5f: {  	v6 =	vld [tilespmem:s9+$0x2300]  }
0x60: {  	v8 =	vld [tilespmem:s9+$0x2380]  }
0x61: {  	v7 =	vld [tilespmem:s9+$0x3000]  }
0x62: {  	v9 =	vld [tilespmem:s9+$0x3080]  }
0x63: {  	v10 =	vld [tilespmem:s9+$0x3100]  }
0x64: {  	v12 =	vld [tilespmem:s9+$0x3180]  }
0x65: {  	v11 =	vld [tilespmem:s9+$0x3200]  }
0x66: {  	v13 =	vld [tilespmem:s9+$0x3280]  }
0x67: {  	s10 =	simm.s32 $0x40;
	v14 =	vld [tilespmem:s9+$0x3300]  }
.LBB2_2:
0x68: {  	p1 =	sne.s32 s10, $0x1C0;
	v15 =	vld [tilespmem:s9+$0x3380]  }
0x69: {  	v16 =	vld [tilespmem:s9+$0x0]  }
0x6a: {  	v0 =	vadd.f32 v1, v0;
	v1 =	vadd.f32 v4, v2;
	v17 =	vld [tilespmem:s9+$0x80]  }
0x6b: {  	v3 =	vadd.f32 v5, v3;
	v4 =	vadd.f32 v8, v6;
	v2 =	vld [tilespmem:s9+$0x100]  }
0x6c: {  	v6 =	vadd.f32 v9, v7;
	v7 =	vadd.f32 v12, v10;
	v5 =	vld [tilespmem:s9+$0x180]  }
0x6d: {  	v9 =	vadd.f32 v13, v11;
	v8 =	vld [tilespmem:s9+$0x200];
	v10 =	vadd.f32 v15, v14  }
0x6e: {  	v0 =	vadd.f32 v1, v0;
	v1 =	vadd.f32 v4, v3;
	v11 =	vld [tilespmem:s9+$0x280]  }
0x6f: {  	v4 =	vadd.f32 v7, v6;
	v3 =	vld [tilespmem:s9+$0x300];
	v6 =	vadd.f32 v10, v9  }
0x70: {  	v9 =	vadd.f32 v17, v16;
	v7 =	vld [tilespmem:s9+$0x380]  }
0x71: {  	v0 =	vadd.f32 v1, v0;
	v10 =	vld [tilespmem:s9+$0x1000];
	v1 =	vadd.f32 v6, v4  }
0x72: {  	v2 =	vadd.f32 v5, v2;
	v4 =	vld [tilespmem:s9+$0x1080]  }
0x73: {  	v5 =	vld [tilespmem:s9+$0x1100];
	v6 =	vadd.f32 v11, v8;
	v0 =	vadd.f32 v1, v0  }
0x74: {  	v2 =	vadd.f32 v2, v9;
	v1 =	vld [tilespmem:s9+$0x1180]  }
0x75: {  	v8 =	vld [tilespmem:s9+$0x1200];
	v3 =	vadd.f32 v7, v3;
	v0 =	vmul.f32 $6.250000000e-02, v0  }
0x76: {  	v7 =	vld [tilespmem:s9+$0x1280]  }
0x77: {  	v9 =	vld [tilespmem:s9+$0x1300];
	v4 =	vadd.f32 v4, v10;
	v3 =	vadd.f32 v3, v6;
	[tilespmem:s9+$0x4400] =	vst v0  }
0x78: {  	s11 =	sshra.s32 s10, $0x2;
	v6 =	vld [tilespmem:s9+$0x1380]  }
0x79: {  	v0 =	vld [tilespmem:s11+$0x2000];
	v5 =	vadd.f32 v1, v5;
	v11 =	vadd.f32 v3, v2  }
0x7a: {  	v1 =	vld [tilespmem:s11+$0x2080]  }
0x7b: {  	v2 =	vld [tilespmem:s11+$0x2100];
	v7 =	vadd.f32 v7, v8;
	v10 =	vadd.f32 v5, v4  }
0x7c: {  	v4 =	vld [tilespmem:s11+$0x2180]  }
0x7d: {  	v3 =	vld [tilespmem:s11+$0x2200];
	v8 =	vadd.f32 v6, v9  }
0x7e: {  	v5 =	vld [tilespmem:s11+$0x2280]  }
0x7f: {  	v6 =	vld [tilespmem:s11+$0x2300];
	v9 =	vadd.f32 v8, v7  }
0x80: {  	v8 =	vld [tilespmem:s11+$0x2380]  }
0x81: {  	v7 =	vld [tilespmem:s11+$0x3000];
	v12 =	vadd.f32 v9, v10  }
0x82: {  	v9 =	vld [tilespmem:s11+$0x3080]  }
.Ltmp0:
0x83: {  	v10 =	vld [tilespmem:s11+$0x3100];
	v13 =	vadd.f32 v12, v11;
	(pc) =	sbr.rel @p1 .LBB2_2-.Ltmp0, $4  }
0x84: {  	v12 =	vld [tilespmem:s11+$0x3180]  }
0x85: {  	v11 =	vld [tilespmem:s11+$0x3200];
	v15 =	vmul.f32 $6.250000000e-02, v13  }
0x86: {  	v13 =	vld [tilespmem:s11+$0x3280]  }
0x87: {  	s10 =	sadd.s32 $0x40, s10;
	v14 =	vld [tilespmem:s11+$0x3300];
	[tilespmem:s9+$0x4200] =	vst v15;
	s9 =	smov.u32 s11  }
0x88: {  	v15 =	vld [tilespmem:s9+$0x3380]  }
0x89: {  	v16 =	vld [tilespmem:s9+$0x0]  }
0x8a: {  	v17 =	vld [tilespmem:s9+$0x80]  }
0x8b: {  	v0 =	vadd.f32 v1, v0;
	v1 =	vadd.f32 v4, v2;
	v2 =	vld [tilespmem:s9+$0x100]  }
0x8c: {  	v3 =	vadd.f32 v5, v3;
	v4 =	vadd.f32 v8, v6;
	v5 =	vld [tilespmem:s9+$0x180]  }
0x8d: {  	v6 =	vadd.f32 v9, v7;
	v8 =	vld [tilespmem:s9+$0x200];
	v7 =	vadd.f32 v12, v10  }
0x8e: {  	v12 =	vld [tilespmem:s9+$0x1280];
	v9 =	vadd.f32 v13, v11;
	v10 =	vadd.f32 v15, v14  }
0x8f: {  	v0 =	vadd.f32 v1, v0;
	v1 =	vadd.f32 v4, v3;
	v3 =	vld [tilespmem:s9+$0x300]  }
0x90: {  	v11 =	vld [tilespmem:s9+$0x280];
	v4 =	vadd.f32 v7, v6;
	v6 =	vadd.f32 v10, v9  }
0x91: {  	v7 =	vld [tilespmem:s9+$0x380]  }
0x92: {  	v13 =	vld [tilespmem:s9+$0x1300];
	v0 =	vadd.f32 v1, v0;
	v1 =	vadd.f32 v6, v4  }
0x93: {  	v9 =	vld [tilespmem:s9+$0x1000]  }
0x94: {  	v10 =	vld [tilespmem:s9+$0x1200];
	v0 =	vadd.f32 v1, v0  }
0x95: {  	v4 =	vld [tilespmem:s9+$0x1080]  }
0x96: {  	v6 =	vld [tilespmem:s9+$0x1100];
	v0 =	vmul.f32 $6.250000000e-02, v0  }
0x97: {  	v1 =	vld [tilespmem:s9+$0x1180]  }
0x98: {  	[tilespmem:s9+$0x4400] =	vst v0;
	v0 =	vld [tilespmem:s9+$0x1380];
	_ =	sdelay $0x1  }
0x99: {  	v14 =	vadd.f32 v17, v16;
	v2 =	vadd.f32 v5, v2  }
0x9a: {  	v5 =	vadd.f32 v11, v8;
	v3 =	vadd.f32 v7, v3  }
0x9b: {  	v4 =	vadd.f32 v4, v9;
	v1 =	vadd.f32 v1, v6  }
0x9c: {  	v6 =	vadd.f32 v12, v10;
	v0 =	vadd.f32 v0, v13  }
0x9d: {  	v2 =	vadd.f32 v2, v14;
	v3 =	vadd.f32 v3, v5  }
0x9e: {  	v1 =	vadd.f32 v1, v4;
	v0 =	vadd.f32 v0, v6;
	_ =	sdelay $0x1  }
0x9f: {  	v2 =	vadd.f32 v3, v2;
	v0 =	vadd.f32 v0, v1;
	_ =	sdelay $0x1  }
0xa0: {  	v0 =	vadd.f32 v0, v2;
	_ =	sdelay $0x1  }
0xa1: {  	v0 =	vmul.f32 $6.250000000e-02, v0;
	_ =	sdelay $0x1  }
0xa2: {  	s14 =	simm.s32 $0x4200;
	[tilespmem:s9+$0x4200] =	vst v0  }
0xa3: {  	[spmem:s1] =	stream.indirect.scatter.add.f32 [tilespmem:s14], [sflag:$0x6], $0x1, s0, s26, $0xb8;
	[tilespmem:$0x4720] =	vst v63  }
0xa4: {  	s15 =	simm.s32 $0x4400  }
0xa5: {  	[spmem:s2] =	stream.indirect.scatter.add.f32 [tilespmem:s15], [sflag:$0x6], $0x1, s0, s26, $0xb8;
	[tilespmem:$0x4720] =	vst v63  }
0xa6: {  	_ =	swait.ge [sflag:s30], $0x1000  }
0xa7: {  	[sflag:s30] =	ssyncset.done $0x0  }
0xa8: {  	s9 =	simm.s32 $0x0;
	[sflag:s30] =	ssyncadd.s32 $0xFFFFF000  }
0xa9: {  	v0 =	vld [tilespmem:s9+$0x2400]  }
0xaa: {  	v1 =	vld [tilespmem:s9+$0x2480]  }
0xab: {  	v2 =	vld [tilespmem:s9+$0x2500]  }
0xac: {  	v4 =	vld [tilespmem:s9+$0x2580]  }
0xad: {  	v3 =	vld [tilespmem:s9+$0x2600]  }
0xae: {  	v5 =	vld [tilespmem:s9+$0x2680]  }
0xaf: {  	v6 =	vld [tilespmem:s9+$0x2700]  }
0xb0: {  	v8 =	vld [tilespmem:s9+$0x2780]  }
0xb1: {  	v7 =	vld [tilespmem:s9+$0x3400]  }
0xb2: {  	v9 =	vld [tilespmem:s9+$0x3480]  }
0xb3: {  	v10 =	vld [tilespmem:s9+$0x3500]  }
0xb4: {  	v12 =	vld [tilespmem:s9+$0x3580]  }
0xb5: {  	v11 =	vld [tilespmem:s9+$0x3600]  }
0xb6: {  	v13 =	vld [tilespmem:s9+$0x3680]  }
0xb7: {  	s10 =	simm.s32 $0x40;
	v14 =	vld [tilespmem:s9+$0x3700]  }
.LBB2_4:
0xb8: {  	p1 =	sne.s32 s10, $0x1C0;
	v15 =	vld [tilespmem:s9+$0x3780]  }
0xb9: {  	v16 =	vld [tilespmem:s9+$0x400]  }
0xba: {  	v0 =	vadd.f32 v1, v0;
	v1 =	vadd.f32 v4, v2;
	v17 =	vld [tilespmem:s9+$0x480]  }
0xbb: {  	v3 =	vadd.f32 v5, v3;
	v4 =	vadd.f32 v8, v6;
	v2 =	vld [tilespmem:s9+$0x500]  }
0xbc: {  	v6 =	vadd.f32 v9, v7;
	v7 =	vadd.f32 v12, v10;
	v5 =	vld [tilespmem:s9+$0x580]  }
0xbd: {  	v9 =	vadd.f32 v13, v11;
	v8 =	vld [tilespmem:s9+$0x600];
	v10 =	vadd.f32 v15, v14  }
0xbe: {  	v0 =	vadd.f32 v1, v0;
	v1 =	vadd.f32 v4, v3;
	v11 =	vld [tilespmem:s9+$0x680]  }
0xbf: {  	v4 =	vadd.f32 v7, v6;
	v3 =	vld [tilespmem:s9+$0x700];
	v6 =	vadd.f32 v10, v9  }
0xc0: {  	v9 =	vadd.f32 v17, v16;
	v7 =	vld [tilespmem:s9+$0x780]  }
0xc1: {  	v0 =	vadd.f32 v1, v0;
	v10 =	vld [tilespmem:s9+$0x1400];
	v1 =	vadd.f32 v6, v4  }
0xc2: {  	v2 =	vadd.f32 v5, v2;
	v4 =	vld [tilespmem:s9+$0x1480]  }
0xc3: {  	v5 =	vld [tilespmem:s9+$0x1500];
	v6 =	vadd.f32 v11, v8;
	v0 =	vadd.f32 v1, v0  }
0xc4: {  	v2 =	vadd.f32 v2, v9;
	v1 =	vld [tilespmem:s9+$0x1580]  }
0xc5: {  	v8 =	vld [tilespmem:s9+$0x1600];
	v3 =	vadd.f32 v7, v3;
	v0 =	vmul.f32 $6.250000000e-02, v0  }
0xc6: {  	v7 =	vld [tilespmem:s9+$0x1680]  }
0xc7: {  	v9 =	vld [tilespmem:s9+$0x1700];
	v4 =	vadd.f32 v4, v10;
	v3 =	vadd.f32 v3, v6;
	[tilespmem:s9+$0x4480] =	vst v0  }
0xc8: {  	s11 =	sshra.s32 s10, $0x2;
	v6 =	vld [tilespmem:s9+$0x1780]  }
0xc9: {  	v0 =	vld [tilespmem:s11+$0x2400];
	v5 =	vadd.f32 v1, v5;
	v11 =	vadd.f32 v3, v2  }
0xca: {  	v1 =	vld [tilespmem:s11+$0x2480]  }
0xcb: {  	v2 =	vld [tilespmem:s11+$0x2500];
	v7 =	vadd.f32 v7, v8;
	v10 =	vadd.f32 v5, v4  }
0xcc: {  	v4 =	vld [tilespmem:s11+$0x2580]  }
0xcd: {  	v3 =	vld [tilespmem:s11+$0x2600];
	v8 =	vadd.f32 v6, v9  }
0xce: {  	v5 =	vld [tilespmem:s11+$0x2680]  }
0xcf: {  	v6 =	vld [tilespmem:s11+$0x2700];
	v9 =	vadd.f32 v8, v7  }
0xd0: {  	v8 =	vld [tilespmem:s11+$0x2780]  }
0xd1: {  	v7 =	vld [tilespmem:s11+$0x3400];
	v12 =	vadd.f32 v9, v10  }
0xd2: {  	v9 =	vld [tilespmem:s11+$0x3480]  }
.Ltmp1:
0xd3: {  	v10 =	vld [tilespmem:s11+$0x3500];
	v13 =	vadd.f32 v12, v11;
	(pc) =	sbr.rel @p1 .LBB2_4-.Ltmp1, $4  }
0xd4: {  	v12 =	vld [tilespmem:s11+$0x3580]  }
0xd5: {  	v11 =	vld [tilespmem:s11+$0x3600];
	v15 =	vmul.f32 $6.250000000e-02, v13  }
0xd6: {  	v13 =	vld [tilespmem:s11+$0x3680]  }
0xd7: {  	s10 =	sadd.s32 $0x40, s10;
	v14 =	vld [tilespmem:s11+$0x3700];
	[tilespmem:s9+$0x4280] =	vst v15;
	s9 =	smov.u32 s11  }
0xd8: {  	v15 =	vld [tilespmem:s9+$0x3780]  }
0xd9: {  	v16 =	vld [tilespmem:s9+$0x400]  }
0xda: {  	v17 =	vld [tilespmem:s9+$0x480]  }
0xdb: {  	v0 =	vadd.f32 v1, v0;
	v1 =	vadd.f32 v4, v2;
	v2 =	vld [tilespmem:s9+$0x500]  }
0xdc: {  	v3 =	vadd.f32 v5, v3;
	v4 =	vadd.f32 v8, v6;
	v5 =	vld [tilespmem:s9+$0x580]  }
0xdd: {  	v6 =	vadd.f32 v9, v7;
	v8 =	vld [tilespmem:s9+$0x600];
	v7 =	vadd.f32 v12, v10  }
0xde: {  	v12 =	vld [tilespmem:s9+$0x1680];
	v9 =	vadd.f32 v13, v11;
	v10 =	vadd.f32 v15, v14  }
0xdf: {  	v0 =	vadd.f32 v1, v0;
	v1 =	vadd.f32 v4, v3;
	v3 =	vld [tilespmem:s9+$0x700]  }
0xe0: {  	v11 =	vld [tilespmem:s9+$0x680];
	v4 =	vadd.f32 v7, v6;
	v6 =	vadd.f32 v10, v9  }
0xe1: {  	v7 =	vld [tilespmem:s9+$0x780]  }
0xe2: {  	v13 =	vld [tilespmem:s9+$0x1700];
	v0 =	vadd.f32 v1, v0;
	v1 =	vadd.f32 v6, v4  }
0xe3: {  	v9 =	vld [tilespmem:s9+$0x1400]  }
0xe4: {  	v10 =	vld [tilespmem:s9+$0x1600];
	v0 =	vadd.f32 v1, v0  }
0xe5: {  	v4 =	vld [tilespmem:s9+$0x1480]  }
0xe6: {  	v6 =	vld [tilespmem:s9+$0x1500];
	v0 =	vmul.f32 $6.250000000e-02, v0  }
0xe7: {  	v1 =	vld [tilespmem:s9+$0x1580]  }
0xe8: {  	[tilespmem:s9+$0x4480] =	vst v0;
	v0 =	vld [tilespmem:s9+$0x1780];
	_ =	sdelay $0x1  }
0xe9: {  	v14 =	vadd.f32 v17, v16;
	v2 =	vadd.f32 v5, v2  }
0xea: {  	v5 =	vadd.f32 v11, v8;
	v3 =	vadd.f32 v7, v3  }
0xeb: {  	v4 =	vadd.f32 v4, v9;
	v1 =	vadd.f32 v1, v6  }
0xec: {  	v6 =	vadd.f32 v12, v10;
	v0 =	vadd.f32 v0, v13  }
0xed: {  	v2 =	vadd.f32 v2, v14;
	v3 =	vadd.f32 v3, v5  }
0xee: {  	v1 =	vadd.f32 v1, v4;
	v0 =	vadd.f32 v0, v6;
	_ =	sdelay $0x1  }
0xef: {  	v2 =	vadd.f32 v3, v2;
	v0 =	vadd.f32 v0, v1;
	_ =	sdelay $0x1  }
0xf0: {  	v0 =	vadd.f32 v0, v2;
	_ =	sdelay $0x1  }
0xf1: {  	v0 =	vmul.f32 $6.250000000e-02, v0;
	_ =	sdelay $0x1  }
0xf2: {  	s14 =	simm.s32 $0x4280;
	[tilespmem:s9+$0x4280] =	vst v0  }
0xf3: {  	[spmem:s1] =	stream.indirect.scatter.add.f32 [tilespmem:s14], [sflag:$0x6], $0x1, s31, s26, $0xb8;
	[tilespmem:$0x4720] =	vst v63  }
0xf4: {  	s15 =	simm.s32 $0x4480  }
0xf5: {  	[spmem:s2] =	stream.indirect.scatter.add.f32 [tilespmem:s15], [sflag:$0x6], $0x1, s31, s26, $0xb8;
	[tilespmem:$0x4720] =	vst v63  }
0xf6: {  	_ =	swait.ge [sflag:s28], $0x1000  }
0xf7: {  	[sflag:s28] =	ssyncset.done $0x0  }
0xf8: {  	s9 =	simm.s32 $0x0;
	[sflag:s28] =	ssyncadd.s32 $0xFFFFF000  }
0xf9: {  	v0 =	vld [tilespmem:s9+$0x2800]  }
0xfa: {  	v1 =	vld [tilespmem:s9+$0x2880]  }
0xfb: {  	v2 =	vld [tilespmem:s9+$0x2900]  }
0xfc: {  	v4 =	vld [tilespmem:s9+$0x2980]  }
0xfd: {  	v3 =	vld [tilespmem:s9+$0x2A00]  }
0xfe: {  	v5 =	vld [tilespmem:s9+$0x2A80]  }
0xff: {  	v6 =	vld [tilespmem:s9+$0x2B00]  }
0x100: {  	v8 =	vld [tilespmem:s9+$0x2B80]  }
0x101: {  	v7 =	vld [tilespmem:s9+$0x3800]  }
0x102: {  	v9 =	vld [tilespmem:s9+$0x3880]  }
0x103: {  	v10 =	vld [tilespmem:s9+$0x3900]  }
0x104: {  	v12 =	vld [tilespmem:s9+$0x3980]  }
0x105: {  	v11 =	vld [tilespmem:s9+$0x3A00]  }
0x106: {  	v13 =	vld [tilespmem:s9+$0x3A80]  }
0x107: {  	s10 =	simm.s32 $0x40;
	v14 =	vld [tilespmem:s9+$0x3B00]  }
.LBB2_6:
0x108: {  	p1 =	sne.s32 s10, $0x1C0;
	v15 =	vld [tilespmem:s9+$0x3B80]  }
0x109: {  	v16 =	vld [tilespmem:s9+$0x800]  }
0x10a: {  	v0 =	vadd.f32 v1, v0;
	v1 =	vadd.f32 v4, v2;
	v17 =	vld [tilespmem:s9+$0x880]  }
0x10b: {  	v3 =	vadd.f32 v5, v3;
	v4 =	vadd.f32 v8, v6;
	v2 =	vld [tilespmem:s9+$0x900]  }
0x10c: {  	v6 =	vadd.f32 v9, v7;
	v7 =	vadd.f32 v12, v10;
	v5 =	vld [tilespmem:s9+$0x980]  }
0x10d: {  	v9 =	vadd.f32 v13, v11;
	v8 =	vld [tilespmem:s9+$0xA00];
	v10 =	vadd.f32 v15, v14  }
0x10e: {  	v0 =	vadd.f32 v1, v0;
	v1 =	vadd.f32 v4, v3;
	v11 =	vld [tilespmem:s9+$0xA80]  }
0x10f: {  	v4 =	vadd.f32 v7, v6;
	v3 =	vld [tilespmem:s9+$0xB00];
	v6 =	vadd.f32 v10, v9  }
0x110: {  	v9 =	vadd.f32 v17, v16;
	v7 =	vld [tilespmem:s9+$0xB80]  }
0x111: {  	v0 =	vadd.f32 v1, v0;
	v10 =	vld [tilespmem:s9+$0x1800];
	v1 =	vadd.f32 v6, v4  }
0x112: {  	v2 =	vadd.f32 v5, v2;
	v4 =	vld [tilespmem:s9+$0x1880]  }
0x113: {  	v5 =	vld [tilespmem:s9+$0x1900];
	v6 =	vadd.f32 v11, v8;
	v0 =	vadd.f32 v1, v0  }
0x114: {  	v2 =	vadd.f32 v2, v9;
	v1 =	vld [tilespmem:s9+$0x1980]  }
0x115: {  	v8 =	vld [tilespmem:s9+$0x1A00];
	v3 =	vadd.f32 v7, v3;
	v0 =	vmul.f32 $6.250000000e-02, v0  }
0x116: {  	v7 =	vld [tilespmem:s9+$0x1A80]  }
0x117: {  	v9 =	vld [tilespmem:s9+$0x1B00];
	v4 =	vadd.f32 v4, v10;
	v3 =	vadd.f32 v3, v6;
	[tilespmem:s9+$0x4500] =	vst v0  }
0x118: {  	s11 =	sshra.s32 s10, $0x2;
	v6 =	vld [tilespmem:s9+$0x1B80]  }
0x119: {  	v0 =	vld [tilespmem:s11+$0x2800];
	v5 =	vadd.f32 v1, v5;
	v11 =	vadd.f32 v3, v2  }
0x11a: {  	v1 =	vld [tilespmem:s11+$0x2880]  }
0x11b: {  	v2 =	vld [tilespmem:s11+$0x2900];
	v7 =	vadd.f32 v7, v8;
	v10 =	vadd.f32 v5, v4  }
0x11c: {  	v4 =	vld [tilespmem:s11+$0x2980]  }
0x11d: {  	v3 =	vld [tilespmem:s11+$0x2A00];
	v8 =	vadd.f32 v6, v9  }
0x11e: {  	v5 =	vld [tilespmem:s11+$0x2A80]  }
0x11f: {  	v6 =	vld [tilespmem:s11+$0x2B00];
	v9 =	vadd.f32 v8, v7  }
0x120: {  	v8 =	vld [tilespmem:s11+$0x2B80]  }
0x121: {  	v7 =	vld [tilespmem:s11+$0x3800];
	v12 =	vadd.f32 v9, v10  }
0x122: {  	v9 =	vld [tilespmem:s11+$0x3880]  }
.Ltmp2:
0x123: {  	v10 =	vld [tilespmem:s11+$0x3900];
	v13 =	vadd.f32 v12, v11;
	(pc) =	sbr.rel @p1 .LBB2_6-.Ltmp2, $4  }
0x124: {  	v12 =	vld [tilespmem:s11+$0x3980]  }
0x125: {  	v11 =	vld [tilespmem:s11+$0x3A00];
	v15 =	vmul.f32 $6.250000000e-02, v13  }
0x126: {  	v13 =	vld [tilespmem:s11+$0x3A80]  }
0x127: {  	s10 =	sadd.s32 $0x40, s10;
	v14 =	vld [tilespmem:s11+$0x3B00];
	[tilespmem:s9+$0x4300] =	vst v15;
	s9 =	smov.u32 s11  }
0x128: {  	v15 =	vld [tilespmem:s9+$0x3B80]  }
0x129: {  	v16 =	vld [tilespmem:s9+$0x800]  }
0x12a: {  	v17 =	vld [tilespmem:s9+$0x880]  }
0x12b: {  	v0 =	vadd.f32 v1, v0;
	v1 =	vadd.f32 v4, v2;
	v2 =	vld [tilespmem:s9+$0x900]  }
0x12c: {  	v3 =	vadd.f32 v5, v3;
	v4 =	vadd.f32 v8, v6;
	v5 =	vld [tilespmem:s9+$0x980]  }
0x12d: {  	v6 =	vadd.f32 v9, v7;
	v8 =	vld [tilespmem:s9+$0xA00];
	v7 =	vadd.f32 v12, v10  }
0x12e: {  	v12 =	vld [tilespmem:s9+$0x1A80];
	v9 =	vadd.f32 v13, v11;
	v10 =	vadd.f32 v15, v14  }
0x12f: {  	v0 =	vadd.f32 v1, v0;
	v1 =	vadd.f32 v4, v3;
	v3 =	vld [tilespmem:s9+$0xB00]  }
0x130: {  	v11 =	vld [tilespmem:s9+$0xA80];
	v4 =	vadd.f32 v7, v6;
	v6 =	vadd.f32 v10, v9  }
0x131: {  	v7 =	vld [tilespmem:s9+$0xB80]  }
0x132: {  	v13 =	vld [tilespmem:s9+$0x1B00];
	v0 =	vadd.f32 v1, v0;
	v1 =	vadd.f32 v6, v4  }
0x133: {  	v9 =	vld [tilespmem:s9+$0x1800]  }
0x134: {  	v10 =	vld [tilespmem:s9+$0x1A00];
	v0 =	vadd.f32 v1, v0  }
0x135: {  	v4 =	vld [tilespmem:s9+$0x1880]  }
0x136: {  	v6 =	vld [tilespmem:s9+$0x1900];
	v0 =	vmul.f32 $6.250000000e-02, v0  }
0x137: {  	v1 =	vld [tilespmem:s9+$0x1980]  }
0x138: {  	[tilespmem:s9+$0x4500] =	vst v0;
	v0 =	vld [tilespmem:s9+$0x1B80];
	_ =	sdelay $0x1  }
0x139: {  	v14 =	vadd.f32 v17, v16;
	v2 =	vadd.f32 v5, v2  }
0x13a: {  	v5 =	vadd.f32 v11, v8;
	v3 =	vadd.f32 v7, v3  }
0x13b: {  	v4 =	vadd.f32 v4, v9;
	v1 =	vadd.f32 v1, v6  }
0x13c: {  	v6 =	vadd.f32 v12, v10;
	v0 =	vadd.f32 v0, v13  }
0x13d: {  	v2 =	vadd.f32 v2, v14;
	v3 =	vadd.f32 v3, v5  }
0x13e: {  	v1 =	vadd.f32 v1, v4;
	v0 =	vadd.f32 v0, v6;
	_ =	sdelay $0x1  }
0x13f: {  	v2 =	vadd.f32 v3, v2;
	v0 =	vadd.f32 v0, v1;
	_ =	sdelay $0x1  }
0x140: {  	v0 =	vadd.f32 v0, v2;
	_ =	sdelay $0x1  }
0x141: {  	v0 =	vmul.f32 $6.250000000e-02, v0;
	_ =	sdelay $0x1  }
0x142: {  	s14 =	simm.s32 $0x4300;
	[tilespmem:s9+$0x4300] =	vst v0  }
0x143: {  	[spmem:s1] =	stream.indirect.scatter.add.f32 [tilespmem:s14], [sflag:$0x6], $0x1, s29, s26, $0xb8;
	[tilespmem:$0x4720] =	vst v63  }
0x144: {  	s15 =	simm.s32 $0x4500  }
0x145: {  	[spmem:s2] =	stream.indirect.scatter.add.f32 [tilespmem:s15], [sflag:$0x6], $0x1, s29, s26, $0xb8;
	[tilespmem:$0x4720] =	vst v63  }
0x146: {  	_ =	swait.ge [sflag:s5], $0x1000  }
0x147: {  	[sflag:s5] =	ssyncset.done $0x0  }
0x148: {  	s9 =	simm.s32 $0x0;
	[sflag:s5] =	ssyncadd.s32 $0xFFFFF000  }
0x149: {  	v0 =	vld [tilespmem:s9+$0x2C00]  }
0x14a: {  	v1 =	vld [tilespmem:s9+$0x2C80]  }
0x14b: {  	v2 =	vld [tilespmem:s9+$0x2D00]  }
0x14c: {  	v4 =	vld [tilespmem:s9+$0x2D80]  }
0x14d: {  	v3 =	vld [tilespmem:s9+$0x2E00]  }
0x14e: {  	v5 =	vld [tilespmem:s9+$0x2E80]  }
0x14f: {  	v6 =	vld [tilespmem:s9+$0x2F00]  }
0x150: {  	v8 =	vld [tilespmem:s9+$0x2F80]  }
0x151: {  	v7 =	vld [tilespmem:s9+$0x3C00]  }
0x152: {  	v9 =	vld [tilespmem:s9+$0x3C80]  }
0x153: {  	v10 =	vld [tilespmem:s9+$0x3D00]  }
0x154: {  	v12 =	vld [tilespmem:s9+$0x3D80]  }
0x155: {  	v11 =	vld [tilespmem:s9+$0x3E00]  }
0x156: {  	v13 =	vld [tilespmem:s9+$0x3E80]  }
0x157: {  	s10 =	simm.s32 $0x40;
	v14 =	vld [tilespmem:s9+$0x3F00]  }
.LBB2_8:
0x158: {  	p1 =	sne.s32 s10, $0x1C0;
	v15 =	vld [tilespmem:s9+$0x3F80]  }
0x159: {  	v16 =	vld [tilespmem:s9+$0xC00]  }
0x15a: {  	v0 =	vadd.f32 v1, v0;
	v1 =	vadd.f32 v4, v2;
	v17 =	vld [tilespmem:s9+$0xC80]  }
0x15b: {  	v3 =	vadd.f32 v5, v3;
	v4 =	vadd.f32 v8, v6;
	v2 =	vld [tilespmem:s9+$0xD00]  }
0x15c: {  	v6 =	vadd.f32 v9, v7;
	v7 =	vadd.f32 v12, v10;
	v5 =	vld [tilespmem:s9+$0xD80]  }
0x15d: {  	v9 =	vadd.f32 v13, v11;
	v8 =	vld [tilespmem:s9+$0xE00];
	v10 =	vadd.f32 v15, v14  }
0x15e: {  	v0 =	vadd.f32 v1, v0;
	v1 =	vadd.f32 v4, v3;
	v11 =	vld [tilespmem:s9+$0xE80]  }
0x15f: {  	v4 =	vadd.f32 v7, v6;
	v3 =	vld [tilespmem:s9+$0xF00];
	v6 =	vadd.f32 v10, v9  }
0x160: {  	v9 =	vadd.f32 v17, v16;
	v7 =	vld [tilespmem:s9+$0xF80]  }
0x161: {  	v0 =	vadd.f32 v1, v0;
	v10 =	vld [tilespmem:s9+$0x1C00];
	v1 =	vadd.f32 v6, v4  }
0x162: {  	v2 =	vadd.f32 v5, v2;
	v4 =	vld [tilespmem:s9+$0x1C80]  }
0x163: {  	v5 =	vld [tilespmem:s9+$0x1D00];
	v6 =	vadd.f32 v11, v8;
	v0 =	vadd.f32 v1, v0  }
0x164: {  	v2 =	vadd.f32 v2, v9;
	v1 =	vld [tilespmem:s9+$0x1D80]  }
0x165: {  	v8 =	vld [tilespmem:s9+$0x1E00];
	v3 =	vadd.f32 v7, v3;
	v0 =	vmul.f32 $6.250000000e-02, v0  }
0x166: {  	v7 =	vld [tilespmem:s9+$0x1E80]  }
0x167: {  	v9 =	vld [tilespmem:s9+$0x1F00];
	v4 =	vadd.f32 v4, v10;
	v3 =	vadd.f32 v3, v6;
	[tilespmem:s9+$0x4580] =	vst v0  }
0x168: {  	s11 =	sshra.s32 s10, $0x2;
	v6 =	vld [tilespmem:s9+$0x1F80]  }
0x169: {  	v0 =	vld [tilespmem:s11+$0x2C00];
	v5 =	vadd.f32 v1, v5;
	v11 =	vadd.f32 v3, v2  }
0x16a: {  	v1 =	vld [tilespmem:s11+$0x2C80]  }
0x16b: {  	v2 =	vld [tilespmem:s11+$0x2D00];
	v7 =	vadd.f32 v7, v8;
	v10 =	vadd.f32 v5, v4  }
0x16c: {  	v4 =	vld [tilespmem:s11+$0x2D80]  }
0x16d: {  	v3 =	vld [tilespmem:s11+$0x2E00];
	v8 =	vadd.f32 v6, v9  }
0x16e: {  	v5 =	vld [tilespmem:s11+$0x2E80]  }
0x16f: {  	v6 =	vld [tilespmem:s11+$0x2F00];
	v9 =	vadd.f32 v8, v7  }
0x170: {  	v8 =	vld [tilespmem:s11+$0x2F80]  }
0x171: {  	v7 =	vld [tilespmem:s11+$0x3C00];
	v12 =	vadd.f32 v9, v10  }
0x172: {  	v9 =	vld [tilespmem:s11+$0x3C80]  }
.Ltmp3:
0x173: {  	v10 =	vld [tilespmem:s11+$0x3D00];
	v13 =	vadd.f32 v12, v11;
	(pc) =	sbr.rel @p1 .LBB2_8-.Ltmp3, $4  }
0x174: {  	v12 =	vld [tilespmem:s11+$0x3D80]  }
0x175: {  	v11 =	vld [tilespmem:s11+$0x3E00];
	v15 =	vmul.f32 $6.250000000e-02, v13  }
0x176: {  	v13 =	vld [tilespmem:s11+$0x3E80]  }
0x177: {  	s10 =	sadd.s32 $0x40, s10;
	v14 =	vld [tilespmem:s11+$0x3F00];
	[tilespmem:s9+$0x4380] =	vst v15;
	s9 =	smov.u32 s11  }
0x178: {  	v15 =	vld [tilespmem:s9+$0x3F80]  }
0x179: {  	v16 =	vld [tilespmem:s9+$0xC00]  }
0x17a: {  	v17 =	vld [tilespmem:s9+$0xC80]  }
0x17b: {  	v38 =	vld [tilespmem:s9+$0xD00]  }
0x17c: {  	v40 =	vld [tilespmem:s9+$0xD80]  }
0x17d: {  	v43 =	vld [tilespmem:s9+$0xE00]  }
0x17e: {  	v46 =	vld [tilespmem:s9+$0xE80]  }
0x17f: {  	v48 =	vld [tilespmem:s9+$0xF00]  }
0x180: {  	v0 =	vadd.f32 v1, v0;
	v37 =	vadd.f32 v4, v2;
	v51 =	vld [tilespmem:s9+$0xF80]  }
0x181: {  	v3 =	vadd.f32 v5, v3;
	v39 =	vadd.f32 v8, v6;
	v52 =	vld [tilespmem:s9+$0x1C00]  }
0x182: {  	v41 =	vadd.f32 v9, v7;
	v54 =	vld [tilespmem:s9+$0x1C80];
	v42 =	vadd.f32 v12, v10  }
0x183: {  	v55 =	vld [tilespmem:s9+$0x1D00];
	v44 =	vadd.f32 v13, v11;
	v45 =	vadd.f32 v15, v14  }
0x184: {  	v56 =	vld [tilespmem:s9+$0x1D80];
	v0 =	vadd.f32 v37, v0;
	v47 =	vadd.f32 v39, v3  }
0x185: {  	v57 =	vld [tilespmem:s9+$0x1E00];
	v49 =	vadd.f32 v42, v41;
	v50 =	vadd.f32 v45, v44  }
0x186: {  	v58 =	vld [tilespmem:s9+$0x1E80]  }
0x187: {  	v59 =	vld [tilespmem:s9+$0x1F00];
	v0 =	vadd.f32 v47, v0;
	v53 =	vadd.f32 v50, v49  }
0x188: {  	v60 =	vld [tilespmem:s9+$0x1F80]  }
0x189: {  	v0 =	vadd.f32 v53, v0  }
0x18a: {  	v61 =	vadd.f32 v17, v16;
	v2 =	vadd.f32 v40, v38  }
0x18b: {  	v62 =	vadd.f32 v46, v43;
	v3 =	vadd.f32 v51, v48;
	v0 =	vmul.f32 $6.250000000e-02, v0  }
0x18c: {  	v4 =	vadd.f32 v54, v52;
	v1 =	vadd.f32 v56, v55  }
0x18d: {  	v63 =	vadd.f32 v58, v57;
	[tilespmem:s9+$0x4580] =	vst v0;
	v0 =	vadd.f32 v60, v59  }
0x18e: {  	v2 =	vadd.f32 v2, v61;
	v3 =	vadd.f32 v3, v62  }
0x18f: {  	v1 =	vadd.f32 v1, v4;
	v0 =	vadd.f32 v0, v63;
	_ =	sdelay $0x1  }
0x190: {  	v2 =	vadd.f32 v3, v2;
	v0 =	vadd.f32 v0, v1;
	_ =	sdelay $0x1  }
0x191: {  	v0 =	vadd.f32 v0, v2;
	_ =	sdelay $0x1  }
0x192: {  	v0 =	vmul.f32 $6.250000000e-02, v0;
	_ =	sdelay $0x1  }
0x193: {  	s13 =	simm.s32 $0x4380;
	[tilespmem:s9+$0x4380] =	vst v0  }
0x194: {  	[spmem:s1] =	stream.indirect.scatter.add.f32 [tilespmem:s13], [sflag:$0x6], $0x1, s6, s26, $0xb8;
	[tilespmem:$0x4720] =	vst v63  }
0x195: {  	s14 =	simm.s32 $0x4580  }
0x196: {  	[spmem:s2] =	stream.indirect.scatter.add.f32 [tilespmem:s14], [sflag:$0x6], $0x1, s6, s26, $0xb8;
	[tilespmem:$0x4720] =	vst v63  }
0x197: {  	_ =	swait.ge [sflag:s7], $0x80  }
0x198: {  	[sflag:s7] =	ssyncset.done $0x0  }
0x199: {  	[sflag:s7] =	ssyncadd.s32 $0xFFFFFF80  }
0x19a: {  	_ =	swait.ge [sflag:s7], $0x80  }
0x19b: {  	[sflag:s7] =	ssyncset.done $0x0  }
0x19c: {  	[sflag:s7] =	ssyncadd.s32 $0xFFFFFF80  }
0x19d: {  	_ =	swait.ge [sflag:s7], $0x80  }
0x19e: {  	[sflag:s7] =	ssyncset.done $0x0  }
0x19f: {  	[sflag:s7] =	ssyncadd.s32 $0xFFFFFF80  }
0x1a0: {  	_ =	swait.ge [sflag:s7], $0x80  }
0x1a1: {  	[sflag:s7] =	ssyncset.done $0x0  }
0x1a2: {  	[sflag:s7] =	ssyncadd.s32 $0xFFFFFF80  }
0x1a3: {  	_ =	swait.ge [sflag:s7], $0x80  }
0x1a4: {  	[sflag:s7] =	ssyncset.done $0x0  }
0x1a5: {  	[sflag:s7] =	ssyncadd.s32 $0xFFFFFF80  }
0x1a6: {  	_ =	swait.ge [sflag:s7], $0x80  }
0x1a7: {  	[sflag:s7] =	ssyncset.done $0x0  }
0x1a8: {  	[sflag:s7] =	ssyncadd.s32 $0xFFFFFF80  }
0x1a9: {  	_ =	swait.ge [sflag:s7], $0x80  }
0x1aa: {  	[sflag:s7] =	ssyncset.done $0x0  }
0x1ab: {  	[sflag:s7] =	ssyncadd.s32 $0xFFFFFF80  }
0x1ac: {  	_ =	swait.ge [sflag:s7], $0x80  }
0x1ad: {  	[sflag:s7] =	ssyncset.done $0x0  }
0x1ae: {  	s10 =	simm.s32 @!p0 $0x1;
	[sflag:s7] =	ssyncadd.s32 $0xFFFFFF80  }
0x1af: {  	s11 =	simm.s32 @!p0 $0x40;
	s12 =	simm.s32 @!p0 $0x10;
	[bflag:$0x0] =	sbarrier.arrive $0xFFFF  }
0x1b0: {  	s9 =	sshrl.u32 @!p0 s1, $0x3;
	s13 =	simm.s32 @!p0 $0x1C07;
	s14 =	rddreg [dreg:$0xa]  }
0x1b1: {  	[hbm:s14@s11], [sflag:s13] =	dma.strided @!p0 [spmem:s9@s12], $0x20, s10, $0x10   }
0x1b2: {  	s9 =	simm.s32 @!p0 $0x7  }
0x1b3: {  	_ =	swait.ge @!p0 [sflag:s9], $0x20  }
0x1b4: {  	[sflag:s9] =	ssyncset.done @!p0 $0x0  }
0x1b5: {  	s14 =	sshrl.u32 @!p0 s2, $0x3;
	s15 =	rddreg [dreg:$0xb];
	[sflag:s9] =	ssyncadd.s32 @!p0 $0xFFFFFFE0  }
0x1b6: {  	[hbm:s15@s11], [sflag:s13] =	dma.strided @!p0 [spmem:s14@s12], $0x20, s10, $0x10   }
0x1b7: {  	_ =	swait.ge @!p0 [sflag:s9], $0x20  }
0x1b8: {  	s8 =	sadd.s32 $0x1, s8;
	s15 =	rddreg [dreg:$0xc]  }
0x1b9: {  	p1 =	sne.s32 s8, s15  }
.Ltmp4:
0x1ba: {  	_ = 	snop;
	(pc) =	sbr.rel @p1 .LBB2_1-.Ltmp4, $3  }
0x1bb: {  	_ =	sdelay $0x1  }
0x1bc: {  	[sflag:s9] =	ssyncset.done @!p0 $0x0  }
0x1bd: {  	[sflag:s9] =	ssyncadd.s32 @!p0 $0xFFFFFFE0  }
0x1be: {  	_ =	sfence.sel $0x180000  }
0x1bf: {  	[bflag:$0x0] =	sbarrier.arrive $0xFFFF  }
0x1c0: {  	_ =	strace $0x90000047  }
0x1c1: {  	[bflag:$0x2] =	sbarrier.arrive $0xFFFF  }
0x1c2: {  	s0 =	rddreg [dreg:$0x5]  }
0x1c3: {  	s0 =	sadd.s32 @!p0 $0x100000, s0  }
0x1c4: {  	[sflag:s0] =	ssyncadd.tile.s32 @!p0 $0x1;
	_ =	shalt  }
.Lfunc_end2:
_tile_overlayer_lowered:
.L_overlay_start_2:
0x1c5: {  	(tag) =	ssettag $0x2  }
0x1c6: {  	s0 =	rddreg [dreg:$0x0];
	s2 =	stileid.u32  }
0x1c7: {  	s1 =	rddreg [dreg:$0x1];
	p0 =	sne.s32 s2, $0x0  }
0x1c8: {  	s3 =	rddreg [dreg:$0x2];
	[bflag:$0x3] =	sbarrier.arrive $0xFFFF;
	s2 =	simm.s32 @!p0 $0x1C07  }
0x1c9: {  	[timem:s3], [sflag:s2] =	dma.local @!p0 [hbm:s0], s1  }
0x1ca: {  	s0 =	simm.s32 @!p0 $0x7  }
0x1cb: {  	_ =	swait.ge @!p0 [sflag:s0], s1  }
0x1cc: {  	s1 =	ssub.s32 @!p0 $0x0, s1;
	[sflag:s0] =	ssyncset.done @!p0 $0x0  }
0x1cd: {  	[sflag:s0] =	ssyncadd.s32 @!p0 s1  }
0x1ce: {  	[bflag:$0x3] =	sbarrier.arrive $0xFFFF  }
0x1cf: {  	_ =	shalt  }

</sc_bundles>
